<compile_context>
chip_gen: v7x
topology: tpu7x:2x2x1
jax: 0.10.2.dev20260603
libtpu: 0.0.44.dev20260713+nightly
codegen_flags: <defaults>
</compile_context>

<pallas_src>
import functools

import jax
import jax.numpy as jnp
from jax import lax
from jax.experimental import pallas as pl
from jax.experimental.pallas import tpu as pltpu
from jax.experimental.pallas import tpu_sc as plsc

B = 4096
L = 20
D = 64
DP = 128
NC = 2
NS = 16
NW = NC * NS
NTOK = B * L
TOK_PER_W = NTOK // NW
CHUNK_TOK = 256
NCHUNK = TOK_PER_W // CHUNK_TOK
NSLOT = 2


def _make_gather():
    mesh = plsc.VectorSubcoreMesh(core_axis_name="c", subcore_axis_name="s")

    @functools.partial(
        pl.kernel,
        mesh=mesh,
        out_type=jax.ShapeDtypeStruct((NW, TOK_PER_W, D), jnp.float32),
        compiler_params=pltpu.CompilerParams(use_tc_tiling_on_sc=False),
        scratch_types=[
            pltpu.VMEM((TOK_PER_W,), jnp.int32),
            pltpu.VMEM((NSLOT, CHUNK_TOK, DP), jnp.float32),
            pltpu.SemaphoreType.DMA,
            pltpu.SemaphoreType.DMA,
            pltpu.SemaphoreType.DMA,
            pltpu.SemaphoreType.DMA,
        ],
    )
    def gather_kernel(idx_hbm, table_hbm, out_hbm, idx_v, rows_v, g0, g1, o0, o1):
        wid = lax.axis_index("s") * NC + lax.axis_index("c")
        pltpu.sync_copy(idx_hbm.at[wid], idx_v)
        gsems = [g0, g1]
        osems = [o0, o1]
        gathers = [None] * NCHUNK
        writes = [None] * NCHUNK

        def fire_gathers(c):
            s = c % NSLOT
            gathers[c] = pltpu.async_copy(
                table_hbm.at[idx_v.at[pl.ds(c * CHUNK_TOK, CHUNK_TOK)]],
                rows_v.at[s],
                gsems[s],
            )

        fire_gathers(0)
        if NCHUNK > 1:
            fire_gathers(1)
        for c in range(NCHUNK):
            s = c % NSLOT
            gathers[c].wait()
            writes[c] = pltpu.async_copy(
                rows_v.at[s, :, pl.ds(0, D)],
                out_hbm.at[wid, pl.ds(c * CHUNK_TOK, CHUNK_TOK)],
                osems[s],
            )
            n = c + NSLOT
            if n < NCHUNK:
                writes[c].wait()
                fire_gathers(n)
        for c in range(max(0, NCHUNK - NSLOT), NCHUNK):
            writes[c].wait()

    return gather_kernel


_GATHER = _make_gather()


def kernel(input_ids, table):
    idx = input_ids.reshape(NW, TOK_PER_W)
    table_p = jnp.pad(table, ((0, 0), (0, DP - D)))
    out = _GATHER(idx, table_p)
    return out.reshape(B, L, D)

# --- scband reference (transcript-rebuilt; emitter-appended) ---
"""Pipeline reference for scband-embeddings-74818330296388 (READ-ONLY COPY).

The authoritative reference and input builder live on the scoring server;
editing this copy changes nothing except your own understanding.
"""

import jax, jax.numpy as jnp
import numpy as np

VOCAB = 1000000
DIM = 64
B = 4096
L = 20

def setup_inputs(seed: int = 0) -> dict:
    key = jax.random.key(seed)
    k_idx, k_tab = jax.random.split(key)
    input_ids = jax.random.randint(k_idx, (B, L), 0, VOCAB, dtype=jnp.int32)
    # nnx.Embed default init: variance_scaling(1.0, 'fan_in', 'normal', out_axis=0)
    # which for an embedding table reduces to normal with stddev 1/sqrt(features)? No --
    # fan_in for embeddings with out_axis=0 is num_embeddings-independent; flax uses
    # stddev = sqrt(1/fan_in) where fan_in = features. We reproduce that scaling.
    table = jax.random.normal(k_tab, (VOCAB, DIM), dtype=jnp.float32) * (1.0 / np.sqrt(DIM))
    return {"input_ids": input_ids, "table": table}

def reference(input_ids, table):
    # Embeddings.__call__: nnx.Embed lookup == gather rows of the table.
    # param_dtype == embedding_out_dtype == float32, so no cast needed.
    embeddings = jnp.take(table, input_ids, axis=0)  # (B, L, D)
    return embeddings

if __name__ == "__main__":
    import jax
    _d = setup_inputs()
    print(jax.jit(kernel)(*tuple(_d.values())))

</pallas_src>

<mosaic_0001>
#map = affine_map<(d0, d1) -> (0, 0)>
#map1 = affine_map<(d0, d1) -> (0, 0, 0)>
module attributes {stable_mosaic.version = 14 : i64} {
  func.func @gather_kernel(%arg0: i32, %arg1: i32, %arg2: memref<32x2560xi32, #tpu.memory_space<hbm>>, %arg3: memref<1000000x128xf32, #tpu.memory_space<hbm>>, %arg4: memref<32x2560x64xf32, #tpu.memory_space<hbm>>, %arg5: memref<2560xi32, #tpu.memory_space<vmem>>, %arg6: memref<2x256x128xf32, #tpu.memory_space<vmem>>, %arg7: memref<!tpu.dma_semaphore, #tpu.memory_space<semaphore_mem>>, %arg8: memref<!tpu.dma_semaphore, #tpu.memory_space<semaphore_mem>>, %arg9: memref<!tpu.dma_semaphore, #tpu.memory_space<semaphore_mem>>, %arg10: memref<!tpu.dma_semaphore, #tpu.memory_space<semaphore_mem>>) attributes {dimension_semantics = [#tpu.dimension_semantics<core_parallel>, #tpu.dimension_semantics<subcore_parallel>], iteration_bounds = array<i64: 2, 16>, scalar_prefetch = 0 : i64, scratch_operands = 6 : i64, tpu.core_type = #tpu.core_type<sc_vector_subcore>, window_params = [{transform_indices = #map}, {transform_indices = #map}, {transform_indices = #map1}]} {
    %mul3A = arith.constant 2 : i32
    %mul3A_0 = arith.muli %arg1, %mul3A : i32
    %add3A = arith.addi %mul3A_0, %arg0 : i32
    "tpu.region"() ({
      %run_scoped3A = tpu.sem_alloc : memref<!tpu.dma_semaphore, #tpu.memory_space<semaphore_mem>>
      %dma_start3A_539 = arith.constant 0 : i32
      %dma_start3A_540 = tpu.memref_slice %arg2[%add3A, %dma_start3A_539] : memref<32x2560xi32, #tpu.memory_space<hbm>> -> memref<1x2560xi32, #tpu.memory_space<hbm>>
      %dma_start3A_541 = tpu.memref_squeeze %dma_start3A_540 : memref<1x2560xi32, #tpu.memory_space<hbm>> -> memref<2560xi32, #tpu.memory_space<hbm>>
      %dma_start3A_542 = arith.constant 0 : i32
      %dma_start3A_543 = tpu.memref_slice %arg2[%add3A, %dma_start3A_542] : memref<32x2560xi32, #tpu.memory_space<hbm>> -> memref<1x2560xi32, #tpu.memory_space<hbm>>
      %dma_start3A_544 = tpu.memref_squeeze %dma_start3A_543 : memref<1x2560xi32, #tpu.memory_space<hbm>> -> memref<2560xi32, #tpu.memory_space<hbm>>
      tpu.enqueue_dma source(%dma_start3A_544 : memref<2560xi32, #tpu.memory_space<hbm>>) target(%arg5 : memref<2560xi32, #tpu.memory_space<vmem>>) target_semaphore(%run_scoped3A : memref<!tpu.dma_semaphore, #tpu.memory_space<semaphore_mem>>)
      %dma_wait3A_545 = arith.constant 0 : i32
      %dma_wait3A_546 = tpu.memref_slice %arg2[%add3A, %dma_wait3A_545] : memref<32x2560xi32, #tpu.memory_space<hbm>> -> memref<1x2560xi32, #tpu.memory_space<hbm>>
      %dma_wait3A_547 = tpu.memref_squeeze %dma_wait3A_546 : memref<1x2560xi32, #tpu.memory_space<hbm>> -> memref<2560xi32, #tpu.memory_space<hbm>>
      %dma_wait3A_548 = arith.constant 0 : i32
      %dma_wait3A_549 = tpu.memref_slice %arg2[%add3A, %dma_wait3A_548] : memref<32x2560xi32, #tpu.memory_space<hbm>> -> memref<1x2560xi32, #tpu.memory_space<hbm>>
      %dma_wait3A_550 = tpu.memref_squeeze %dma_wait3A_549 : memref<1x2560xi32, #tpu.memory_space<hbm>> -> memref<2560xi32, #tpu.memory_space<hbm>>
      tpu.wait_dma2 semaphore(%run_scoped3A : memref<!tpu.dma_semaphore, #tpu.memory_space<semaphore_mem>>) src(%dma_wait3A_550 : memref<2560xi32, #tpu.memory_space<hbm>>) dst(%arg5 : memref<2560xi32, #tpu.memory_space<vmem>>)
      tpu.yield
    }) : () -> ()
    %dma_start3A = arith.constant 0 : i32
    %dma_start3A_1 = arith.constant 0 : i32
    %dma_start3A_2 = arith.constant 0 : i32
    %dma_start3A_3 = tpu.memref_slice %arg6[%dma_start3A, %dma_start3A_1, %dma_start3A_2] : memref<2x256x128xf32, #tpu.memory_space<vmem>> -> memref<1x256x128xf32, #tpu.memory_space<vmem>>
    %dma_start3A_4 = tpu.memref_squeeze %dma_start3A_3 : memref<1x256x128xf32, #tpu.memory_space<vmem>> -> memref<256x128xf32, #tpu.memory_space<vmem>>
    %dma_start3A_5 = arith.constant 0 : i32
    %dma_start3A_6 = tpu.memref_slice %arg5[%dma_start3A_5] : memref<2560xi32, #tpu.memory_space<vmem>> -> memref<256xi32, #tpu.memory_space<vmem>>
    %dma_start3A_7 = arith.constant 0 : i32
    %dma_start3A_8 = arith.constant 0 : i32
    %dma_start3A_9 = tpu.memref_slice %arg3[%dma_start3A_7, %dma_start3A_8] : memref<1000000x128xf32, #tpu.memory_space<hbm>> -> memref<1000000x128xf32, #tpu.memory_space<hbm>>
    tpu.enqueue_indirect_dma source(%dma_start3A_9 : memref<1000000x128xf32, #tpu.memory_space<hbm>>) target(%dma_start3A_4 : memref<256x128xf32, #tpu.memory_space<vmem>>) offsets(%dma_start3A_6 : memref<256xi32, #tpu.memory_space<vmem>>) semaphore(%arg7 : memref<!tpu.dma_semaphore, #tpu.memory_space<semaphore_mem>>)
    %dma_start3A_10 = arith.constant 1 : i32
    %dma_start3A_11 = arith.constant 0 : i32
    %dma_start3A_12 = arith.constant 0 : i32
    %dma_start3A_13 = tpu.memref_slice %arg6[%dma_start3A_10, %dma_start3A_11, %dma_start3A_12] : memref<2x256x128xf32, #tpu.memory_space<vmem>> -> memref<1x256x128xf32, #tpu.memory_space<vmem>>
    %dma_start3A_14 = tpu.memref_squeeze %dma_start3A_13 : memref<1x256x128xf32, #tpu.memory_space<vmem>> -> memref<256x128xf32, #tpu.memory_space<vmem>>
    %dma_start3A_15 = arith.constant 256 : i32
    %dma_start3A_16 = tpu.memref_slice %arg5[%dma_start3A_15] : memref<2560xi32, #tpu.memory_space<vmem>> -> memref<256xi32, #tpu.memory_space<vmem>>
    %dma_start3A_17 = arith.constant 0 : i32
    %dma_start3A_18 = arith.constant 0 : i32
    %dma_start3A_19 = tpu.memref_slice %arg3[%dma_start3A_17, %dma_start3A_18] : memref<1000000x128xf32, #tpu.memory_space<hbm>> -> memref<1000000x128xf32, #tpu.memory_space<hbm>>
    tpu.enqueue_indirect_dma source(%dma_start3A_19 : memref<1000000x128xf32, #tpu.memory_space<hbm>>) target(%dma_start3A_14 : memref<256x128xf32, #tpu.memory_space<vmem>>) offsets(%dma_start3A_16 : memref<256xi32, #tpu.memory_space<vmem>>) semaphore(%arg8 : memref<!tpu.dma_semaphore, #tpu.memory_space<semaphore_mem>>)
    %dma_wait3A = arith.constant 0 : i32
    %dma_wait3A_20 = arith.constant 0 : i32
    %dma_wait3A_21 = arith.constant 0 : i32
    %dma_wait3A_22 = tpu.memref_slice %arg6[%dma_wait3A, %dma_wait3A_20, %dma_wait3A_21] : memref<2x256x128xf32, #tpu.memory_space<vmem>> -> memref<1x256x128xf32, #tpu.memory_space<vmem>>
    %dma_wait3A_23 = tpu.memref_squeeze %dma_wait3A_22 : memref<1x256x128xf32, #tpu.memory_space<vmem>> -> memref<256x128xf32, #tpu.memory_space<vmem>>
    %dma_wait3A_24 = arith.constant 0 : i32
    %dma_wait3A_25 = tpu.memref_slice %arg5[%dma_wait3A_24] : memref<2560xi32, #tpu.memory_space<vmem>> -> memref<256xi32, #tpu.memory_space<vmem>>
    %dma_wait3A_26 = arith.constant 0 : i32
    %dma_wait3A_27 = arith.constant 0 : i32
    %dma_wait3A_28 = tpu.memref_slice %arg3[%dma_wait3A_26, %dma_wait3A_27] : memref<1000000x128xf32, #tpu.memory_space<hbm>> -> memref<1000000x128xf32, #tpu.memory_space<hbm>>
    tpu.wait_indirect_dma semaphore(%arg7 : memref<!tpu.dma_semaphore, #tpu.memory_space<semaphore_mem>>) src(%dma_wait3A_28 : memref<1000000x128xf32, #tpu.memory_space<hbm>>) dst(%dma_wait3A_23 : memref<256x128xf32, #tpu.memory_space<vmem>>)
    %dma_start3A_29 = arith.constant 0 : i32
    %dma_start3A_30 = arith.constant 0 : i32
    %dma_start3A_31 = arith.constant 0 : i32
    %dma_start3A_32 = tpu.memref_slice %arg6[%dma_start3A_29, %dma_start3A_30, %dma_start3A_31] : memref<2x256x128xf32, #tpu.memory_space<vmem>> -> memref<1x256x64xf32, #tpu.memory_space<vmem>>
    %dma_start3A_33 = tpu.memref_squeeze %dma_start3A_32 : memref<1x256x64xf32, #tpu.memory_space<vmem>> -> memref<256x64xf32, #tpu.memory_space<vmem>>
    %dma_start3A_34 = arith.constant 0 : i32
    %dma_start3A_35 = arith.constant 0 : i32
    %dma_start3A_36 = tpu.memref_slice %arg4[%add3A, %dma_start3A_34, %dma_start3A_35] : memref<32x2560x64xf32, #tpu.memory_space<hbm>> -> memref<1x256x64xf32, #tpu.memory_space<hbm>>
    %dma_start3A_37 = tpu.memref_squeeze %dma_start3A_36 : memref<1x256x64xf32, #tpu.memory_space<hbm>> -> memref<256x64xf32, #tpu.memory_space<hbm>>
    %dma_start3A_38 = arith.constant 0 : i32
    %dma_start3A_39 = arith.constant 0 : i32
    %dma_start3A_40 = tpu.memref_slice %arg4[%add3A, %dma_start3A_38, %dma_start3A_39] : memref<32x2560x64xf32, #tpu.memory_space<hbm>> -> memref<1x256x64xf32, #tpu.memory_space<hbm>>
    %dma_start3A_41 = tpu.memref_squeeze %dma_start3A_40 : memref<1x256x64xf32, #tpu.memory_space<hbm>> -> memref<256x64xf32, #tpu.memory_space<hbm>>
    %dma_start3A_42 = arith.constant 0 : i32
    %dma_start3A_43 = arith.constant 0 : i32
    %dma_start3A_44 = tpu.memref_slice %arg6[%dma_start3A_29, %dma_start3A_42, %dma_start3A_43] : memref<2x256x128xf32, #tpu.memory_space<vmem>> -> memref<1x256x64xf32, #tpu.memory_space<vmem>>
    %dma_start3A_45 = tpu.memref_squeeze %dma_start3A_44 : memref<1x256x64xf32, #tpu.memory_space<vmem>> -> memref<256x64xf32, #tpu.memory_space<vmem>>
    tpu.enqueue_dma source(%dma_start3A_45 : memref<256x64xf32, #tpu.memory_space<vmem>>) target(%dma_start3A_41 : memref<256x64xf32, #tpu.memory_space<hbm>>) target_semaphore(%arg9 : memref<!tpu.dma_semaphore, #tpu.memory_space<semaphore_mem>>)
    %dma_wait3A_46 = arith.constant 0 : i32
    %dma_wait3A_47 = arith.constant 0 : i32
    %dma_wait3A_48 = arith.constant 0 : i32
    %dma_wait3A_49 = tpu.memref_slice %arg6[%dma_wait3A_46, %dma_wait3A_47, %dma_wait3A_48] : memref<2x256x128xf32, #tpu.memory_space<vmem>> -> memref<1x256x64xf32, #tpu.memory_space<vmem>>
    %dma_wait3A_50 = tpu.memref_squeeze %dma_wait3A_49 : memref<1x256x64xf32, #tpu.memory_space<vmem>> -> memref<256x64xf32, #tpu.memory_space<vmem>>
    %dma_wait3A_51 = arith.constant 0 : i32
    %dma_wait3A_52 = arith.constant 0 : i32
    %dma_wait3A_53 = tpu.memref_slice %arg4[%add3A, %dma_wait3A_51, %dma_wait3A_52] : memref<32x2560x64xf32, #tpu.memory_space<hbm>> -> memref<1x256x64xf32, #tpu.memory_space<hbm>>
    %dma_wait3A_54 = tpu.memref_squeeze %dma_wait3A_53 : memref<1x256x64xf32, #tpu.memory_space<hbm>> -> memref<256x64xf32, #tpu.memory_space<hbm>>
    %dma_wait3A_55 = arith.constant 0 : i32
    %dma_wait3A_56 = arith.constant 0 : i32
    %dma_wait3A_57 = tpu.memref_slice %arg4[%add3A, %dma_wait3A_55, %dma_wait3A_56] : memref<32x2560x64xf32, #tpu.memory_space<hbm>> -> memref<1x256x64xf32, #tpu.memory_space<hbm>>
    %dma_wait3A_58 = tpu.memref_squeeze %dma_wait3A_57 : memref<1x256x64xf32, #tpu.memory_space<hbm>> -> memref<256x64xf32, #tpu.memory_space<hbm>>
    %dma_wait3A_59 = arith.constant 0 : i32
    %dma_wait3A_60 = arith.constant 0 : i32
    %dma_wait3A_61 = tpu.memref_slice %arg6[%dma_wait3A_46, %dma_wait3A_59, %dma_wait3A_60] : memref<2x256x128xf32, #tpu.memory_space<vmem>> -> memref<1x256x64xf32, #tpu.memory_space<vmem>>
    %dma_wait3A_62 = tpu.memref_squeeze %dma_wait3A_61 : memref<1x256x64xf32, #tpu.memory_space<vmem>> -> memref<256x64xf32, #tpu.memory_space<vmem>>
    tpu.wait_dma2 semaphore(%arg9 : memref<!tpu.dma_semaphore, #tpu.memory_space<semaphore_mem>>) src(%dma_wait3A_62 : memref<256x64xf32, #tpu.memory_space<vmem>>) dst(%dma_wait3A_58 : memref<256x64xf32, #tpu.memory_space<hbm>>)
    %dma_start3A_63 = arith.constant 0 : i32
    %dma_start3A_64 = arith.constant 0 : i32
    %dma_start3A_65 = arith.constant 0 : i32
    %dma_start3A_66 = tpu.memref_slice %arg6[%dma_start3A_63, %dma_start3A_64, %dma_start3A_65] : memref<2x256x128xf32, #tpu.memory_space<vmem>> -> memref<1x256x128xf32, #tpu.memory_space<vmem>>
    %dma_start3A_67 = tpu.memref_squeeze %dma_start3A_66 : memref<1x256x128xf32, #tpu.memory_space<vmem>> -> memref<256x128xf32, #tpu.memory_space<vmem>>
    %dma_start3A_68 = arith.constant 512 : i32
    %dma_start3A_69 = tpu.memref_slice %arg5[%dma_start3A_68] : memref<2560xi32, #tpu.memory_space<vmem>> -> memref<256xi32, #tpu.memory_space<vmem>>
    %dma_start3A_70 = arith.constant 0 : i32
    %dma_start3A_71 = arith.constant 0 : i32
    %dma_start3A_72 = tpu.memref_slice %arg3[%dma_start3A_70, %dma_start3A_71] : memref<1000000x128xf32, #tpu.memory_space<hbm>> -> memref<1000000x128xf32, #tpu.memory_space<hbm>>
    tpu.enqueue_indirect_dma source(%dma_start3A_72 : memref<1000000x128xf32, #tpu.memory_space<hbm>>) target(%dma_start3A_67 : memref<256x128xf32, #tpu.memory_space<vmem>>) offsets(%dma_start3A_69 : memref<256xi32, #tpu.memory_space<vmem>>) semaphore(%arg7 : memref<!tpu.dma_semaphore, #tpu.memory_space<semaphore_mem>>)
    %dma_wait3A_73 = arith.constant 1 : i32
    %dma_wait3A_74 = arith.constant 0 : i32
    %dma_wait3A_75 = arith.constant 0 : i32
    %dma_wait3A_76 = tpu.memref_slice %arg6[%dma_wait3A_73, %dma_wait3A_74, %dma_wait3A_75] : memref<2x256x128xf32, #tpu.memory_space<vmem>> -> memref<1x256x128xf32, #tpu.memory_space<vmem>>
    %dma_wait3A_77 = tpu.memref_squeeze %dma_wait3A_76 : memref<1x256x128xf32, #tpu.memory_space<vmem>> -> memref<256x128xf32, #tpu.memory_space<vmem>>
    %dma_wait3A_78 = arith.constant 256 : i32
    %dma_wait3A_79 = tpu.memref_slice %arg5[%dma_wait3A_78] : memref<2560xi32, #tpu.memory_space<vmem>> -> memref<256xi32, #tpu.memory_space<vmem>>
    %dma_wait3A_80 = arith.constant 0 : i32
    %dma_wait3A_81 = arith.constant 0 : i32
    %dma_wait3A_82 = tpu.memref_slice %arg3[%dma_wait3A_80, %dma_wait3A_81] : memref<1000000x128xf32, #tpu.memory_space<hbm>> -> memref<1000000x128xf32, #tpu.memory_space<hbm>>
    tpu.wait_indirect_dma semaphore(%arg8 : memref<!tpu.dma_semaphore, #tpu.memory_space<semaphore_mem>>) src(%dma_wait3A_82 : memref<1000000x128xf32, #tpu.memory_space<hbm>>) dst(%dma_wait3A_77 : memref<256x128xf32, #tpu.memory_space<vmem>>)
    %dma_start3A_83 = arith.constant 1 : i32
    %dma_start3A_84 = arith.constant 0 : i32
    %dma_start3A_85 = arith.constant 0 : i32
    %dma_start3A_86 = tpu.memref_slice %arg6[%dma_start3A_83, %dma_start3A_84, %dma_start3A_85] : memref<2x256x128xf32, #tpu.memory_space<vmem>> -> memref<1x256x64xf32, #tpu.memory_space<vmem>>
    %dma_start3A_87 = tpu.memref_squeeze %dma_start3A_86 : memref<1x256x64xf32, #tpu.memory_space<vmem>> -> memref<256x64xf32, #tpu.memory_space<vmem>>
    %dma_start3A_88 = arith.constant 256 : i32
    %dma_start3A_89 = arith.constant 0 : i32
    %dma_start3A_90 = tpu.memref_slice %arg4[%add3A, %dma_start3A_88, %dma_start3A_89] : memref<32x2560x64xf32, #tpu.memory_space<hbm>> -> memref<1x256x64xf32, #tpu.memory_space<hbm>>
    %dma_start3A_91 = tpu.memref_squeeze %dma_start3A_90 : memref<1x256x64xf32, #tpu.memory_space<hbm>> -> memref<256x64xf32, #tpu.memory_space<hbm>>
    %dma_start3A_92 = arith.constant 256 : i32
    %dma_start3A_93 = arith.constant 0 : i32
    %dma_start3A_94 = tpu.memref_slice %arg4[%add3A, %dma_start3A_92, %dma_start3A_93] : memref<32x2560x64xf32, #tpu.memory_space<hbm>> -> memref<1x256x64xf32, #tpu.memory_space<hbm>>
    %dma_start3A_95 = tpu.memref_squeeze %dma_start3A_94 : memref<1x256x64xf32, #tpu.memory_space<hbm>> -> memref<256x64xf32, #tpu.memory_space<hbm>>
    %dma_start3A_96 = arith.constant 0 : i32
    %dma_start3A_97 = arith.constant 0 : i32
    %dma_start3A_98 = tpu.memref_slice %arg6[%dma_start3A_83, %dma_start3A_96, %dma_start3A_97] : memref<2x256x128xf32, #tpu.memory_space<vmem>> -> memref<1x256x64xf32, #tpu.memory_space<vmem>>
    %dma_start3A_99 = tpu.memref_squeeze %dma_start3A_98 : memref<1x256x64xf32, #tpu.memory_space<vmem>> -> memref<256x64xf32, #tpu.memory_space<vmem>>
    tpu.enqueue_dma source(%dma_start3A_99 : memref<256x64xf32, #tpu.memory_space<vmem>>) target(%dma_start3A_95 : memref<256x64xf32, #tpu.memory_space<hbm>>) target_semaphore(%arg10 : memref<!tpu.dma_semaphore, #tpu.memory_space<semaphore_mem>>)
    %dma_wait3A_100 = arith.constant 1 : i32
    %dma_wait3A_101 = arith.constant 0 : i32
    %dma_wait3A_102 = arith.constant 0 : i32
    %dma_wait3A_103 = tpu.memref_slice %arg6[%dma_wait3A_100, %dma_wait3A_101, %dma_wait3A_102] : memref<2x256x128xf32, #tpu.memory_space<vmem>> -> memref<1x256x64xf32, #tpu.memory_space<vmem>>
    %dma_wait3A_104 = tpu.memref_squeeze %dma_wait3A_103 : memref<1x256x64xf32, #tpu.memory_space<vmem>> -> memref<256x64xf32, #tpu.memory_space<vmem>>
    %dma_wait3A_105 = arith.constant 256 : i32
    %dma_wait3A_106 = arith.constant 0 : i32
    %dma_wait3A_107 = tpu.memref_slice %arg4[%add3A, %dma_wait3A_105, %dma_wait3A_106] : memref<32x2560x64xf32, #tpu.memory_space<hbm>> -> memref<1x256x64xf32, #tpu.memory_space<hbm>>
    %dma_wait3A_108 = tpu.memref_squeeze %dma_wait3A_107 : memref<1x256x64xf32, #tpu.memory_space<hbm>> -> memref<256x64xf32, #tpu.memory_space<hbm>>
    %dma_wait3A_109 = arith.constant 256 : i32
    %dma_wait3A_110 = arith.constant 0 : i32
    %dma_wait3A_111 = tpu.memref_slice %arg4[%add3A, %dma_wait3A_109, %dma_wait3A_110] : memref<32x2560x64xf32, #tpu.memory_space<hbm>> -> memref<1x256x64xf32, #tpu.memory_space<hbm>>
    %dma_wait3A_112 = tpu.memref_squeeze %dma_wait3A_111 : memref<1x256x64xf32, #tpu.memory_space<hbm>> -> memref<256x64xf32, #tpu.memory_space<hbm>>
    %dma_wait3A_113 = arith.constant 0 : i32
    %dma_wait3A_114 = arith.constant 0 : i32
    %dma_wait3A_115 = tpu.memref_slice %arg6[%dma_wait3A_100, %dma_wait3A_113, %dma_wait3A_114] : memref<2x256x128xf32, #tpu.memory_space<vmem>> -> memref<1x256x64xf32, #tpu.memory_space<vmem>>
    %dma_wait3A_116 = tpu.memref_squeeze %dma_wait3A_115 : memref<1x256x64xf32, #tpu.memory_space<vmem>> -> memref<256x64xf32, #tpu.memory_space<vmem>>
    tpu.wait_dma2 semaphore(%arg10 : memref<!tpu.dma_semaphore, #tpu.memory_space<semaphore_mem>>) src(%dma_wait3A_116 : memref<256x64xf32, #tpu.memory_space<vmem>>) dst(%dma_wait3A_112 : memref<256x64xf32, #tpu.memory_space<hbm>>)
    %dma_start3A_117 = arith.constant 1 : i32
    %dma_start3A_118 = arith.constant 0 : i32
    %dma_start3A_119 = arith.constant 0 : i32
    %dma_start3A_120 = tpu.memref_slice %arg6[%dma_start3A_117, %dma_start3A_118, %dma_start3A_119] : memref<2x256x128xf32, #tpu.memory_space<vmem>> -> memref<1x256x128xf32, #tpu.memory_space<vmem>>
    %dma_start3A_121 = tpu.memref_squeeze %dma_start3A_120 : memref<1x256x128xf32, #tpu.memory_space<vmem>> -> memref<256x128xf32, #tpu.memory_space<vmem>>
    %dma_start3A_122 = arith.constant 768 : i32
    %dma_start3A_123 = tpu.memref_slice %arg5[%dma_start3A_122] : memref<2560xi32, #tpu.memory_space<vmem>> -> memref<256xi32, #tpu.memory_space<vmem>>
    %dma_start3A_124 = arith.constant 0 : i32
    %dma_start3A_125 = arith.constant 0 : i32
    %dma_start3A_126 = tpu.memref_slice %arg3[%dma_start3A_124, %dma_start3A_125] : memref<1000000x128xf32, #tpu.memory_space<hbm>> -> memref<1000000x128xf32, #tpu.memory_space<hbm>>
    tpu.enqueue_indirect_dma source(%dma_start3A_126 : memref<1000000x128xf32, #tpu.memory_space<hbm>>) target(%dma_start3A_121 : memref<256x128xf32, #tpu.memory_space<vmem>>) offsets(%dma_start3A_123 : memref<256xi32, #tpu.memory_space<vmem>>) semaphore(%arg8 : memref<!tpu.dma_semaphore, #tpu.memory_space<semaphore_mem>>)
    %dma_wait3A_127 = arith.constant 0 : i32
    %dma_wait3A_128 = arith.constant 0 : i32
    %dma_wait3A_129 = arith.constant 0 : i32
    %dma_wait3A_130 = tpu.memref_slice %arg6[%dma_wait3A_127, %dma_wait3A_128, %dma_wait3A_129] : memref<2x256x128xf32, #tpu.memory_space<vmem>> -> memref<1x256x128xf32, #tpu.memory_space<vmem>>
    %dma_wait3A_131 = tpu.memref_squeeze %dma_wait3A_130 : memref<1x256x128xf32, #tpu.memory_space<vmem>> -> memref<256x128xf32, #tpu.memory_space<vmem>>
    %dma_wait3A_132 = arith.constant 512 : i32
    %dma_wait3A_133 = tpu.memref_slice %arg5[%dma_wait3A_132] : memref<2560xi32, #tpu.memory_space<vmem>> -> memref<256xi32, #tpu.memory_space<vmem>>
    %dma_wait3A_134 = arith.constant 0 : i32
    %dma_wait3A_135 = arith.constant 0 : i32
    %dma_wait3A_136 = tpu.memref_slice %arg3[%dma_wait3A_134, %dma_wait3A_135] : memref<1000000x128xf32, #tpu.memory_space<hbm>> -> memref<1000000x128xf32, #tpu.memory_space<hbm>>
    tpu.wait_indirect_dma semaphore(%arg7 : memref<!tpu.dma_semaphore, #tpu.memory_space<semaphore_mem>>) src(%dma_wait3A_136 : memref<1000000x128xf32, #tpu.memory_space<hbm>>) dst(%dma_wait3A_131 : memref<256x128xf32, #tpu.memory_space<vmem>>)
    %dma_start3A_137 = arith.constant 0 : i32
    %dma_start3A_138 = arith.constant 0 : i32
    %dma_start3A_139 = arith.constant 0 : i32
    %dma_start3A_140 = tpu.memref_slice %arg6[%dma_start3A_137, %dma_start3A_138, %dma_start3A_139] : memref<2x256x128xf32, #tpu.memory_space<vmem>> -> memref<1x256x64xf32, #tpu.memory_space<vmem>>
    %dma_start3A_141 = tpu.memref_squeeze %dma_start3A_140 : memref<1x256x64xf32, #tpu.memory_space<vmem>> -> memref<256x64xf32, #tpu.memory_space<vmem>>
    %dma_start3A_142 = arith.constant 512 : i32
    %dma_start3A_143 = arith.constant 0 : i32
    %dma_start3A_144 = tpu.memref_slice %arg4[%add3A, %dma_start3A_142, %dma_start3A_143] : memref<32x2560x64xf32, #tpu.memory_space<hbm>> -> memref<1x256x64xf32, #tpu.memory_space<hbm>>
    %dma_start3A_145 = tpu.memref_squeeze %dma_start3A_144 : memref<1x256x64xf32, #tpu.memory_space<hbm>> -> memref<256x64xf32, #tpu.memory_space<hbm>>
    %dma_start3A_146 = arith.constant 512 : i32
    %dma_start3A_147 = arith.constant 0 : i32
    %dma_start3A_148 = tpu.memref_slice %arg4[%add3A, %dma_start3A_146, %dma_start3A_147] : memref<32x2560x64xf32, #tpu.memory_space<hbm>> -> memref<1x256x64xf32, #tpu.memory_space<hbm>>
    %dma_start3A_149 = tpu.memref_squeeze %dma_start3A_148 : memref<1x256x64xf32, #tpu.memory_space<hbm>> -> memref<256x64xf32, #tpu.memory_space<hbm>>
    %dma_start3A_150 = arith.constant 0 : i32
    %dma_start3A_151 = arith.constant 0 : i32
    %dma_start3A_152 = tpu.memref_slice %arg6[%dma_start3A_137, %dma_start3A_150, %dma_start3A_151] : memref<2x256x128xf32, #tpu.memory_space<vmem>> -> memref<1x256x64xf32, #tpu.memory_space<vmem>>
    %dma_start3A_153 = tpu.memref_squeeze %dma_start3A_152 : memref<1x256x64xf32, #tpu.memory_space<vmem>> -> memref<256x64xf32, #tpu.memory_space<vmem>>
    tpu.enqueue_dma source(%dma_start3A_153 : memref<256x64xf32, #tpu.memory_space<vmem>>) target(%dma_start3A_149 : memref<256x64xf32, #tpu.memory_space<hbm>>) target_semaphore(%arg9 : memref<!tpu.dma_semaphore, #tpu.memory_space<semaphore_mem>>)
    %dma_wait3A_154 = arith.constant 0 : i32
    %dma_wait3A_155 = arith.constant 0 : i32
    %dma_wait3A_156 = arith.constant 0 : i32
    %dma_wait3A_157 = tpu.memref_slice %arg6[%dma_wait3A_154, %dma_wait3A_155, %dma_wait3A_156] : memref<2x256x128xf32, #tpu.memory_space<vmem>> -> memref<1x256x64xf32, #tpu.memory_space<vmem>>
    %dma_wait3A_158 = tpu.memref_squeeze %dma_wait3A_157 : memref<1x256x64xf32, #tpu.memory_space<vmem>> -> memref<256x64xf32, #tpu.memory_space<vmem>>
    %dma_wait3A_159 = arith.constant 512 : i32
    %dma_wait3A_160 = arith.constant 0 : i32
    %dma_wait3A_161 = tpu.memref_slice %arg4[%add3A, %dma_wait3A_159, %dma_wait3A_160] : memref<32x2560x64xf32, #tpu.memory_space<hbm>> -> memref<1x256x64xf32, #tpu.memory_space<hbm>>
    %dma_wait3A_162 = tpu.memref_squeeze %dma_wait3A_161 : memref<1x256x64xf32, #tpu.memory_space<hbm>> -> memref<256x64xf32, #tpu.memory_space<hbm>>
    %dma_wait3A_163 = arith.constant 512 : i32
    %dma_wait3A_164 = arith.constant 0 : i32
    %dma_wait3A_165 = tpu.memref_slice %arg4[%add3A, %dma_wait3A_163, %dma_wait3A_164] : memref<32x2560x64xf32, #tpu.memory_space<hbm>> -> memref<1x256x64xf32, #tpu.memory_space<hbm>>
    %dma_wait3A_166 = tpu.memref_squeeze %dma_wait3A_165 : memref<1x256x64xf32, #tpu.memory_space<hbm>> -> memref<256x64xf32, #tpu.memory_space<hbm>>
    %dma_wait3A_167 = arith.constant 0 : i32
    %dma_wait3A_168 = arith.constant 0 : i32
    %dma_wait3A_169 = tpu.memref_slice %arg6[%dma_wait3A_154, %dma_wait3A_167, %dma_wait3A_168] : memref<2x256x128xf32, #tpu.memory_space<vmem>> -> memref<1x256x64xf32, #tpu.memory_space<vmem>>
    %dma_wait3A_170 = tpu.memref_squeeze %dma_wait3A_169 : memref<1x256x64xf32, #tpu.memory_space<vmem>> -> memref<256x64xf32, #tpu.memory_space<vmem>>
    tpu.wait_dma2 semaphore(%arg9 : memref<!tpu.dma_semaphore, #tpu.memory_space<semaphore_mem>>) src(%dma_wait3A_170 : memref<256x64xf32, #tpu.memory_space<vmem>>) dst(%dma_wait3A_166 : memref<256x64xf32, #tpu.memory_space<hbm>>)
    %dma_start3A_171 = arith.constant 0 : i32
    %dma_start3A_172 = arith.constant 0 : i32
    %dma_start3A_173 = arith.constant 0 : i32
    %dma_start3A_174 = tpu.memref_slice %arg6[%dma_start3A_171, %dma_start3A_172, %dma_start3A_173] : memref<2x256x128xf32, #tpu.memory_space<vmem>> -> memref<1x256x128xf32, #tpu.memory_space<vmem>>
    %dma_start3A_175 = tpu.memref_squeeze %dma_start3A_174 : memref<1x256x128xf32, #tpu.memory_space<vmem>> -> memref<256x128xf32, #tpu.memory_space<vmem>>
    %dma_start3A_176 = arith.constant 1024 : i32
    %dma_start3A_177 = tpu.memref_slice %arg5[%dma_start3A_176] : memref<2560xi32, #tpu.memory_space<vmem>> -> memref<256xi32, #tpu.memory_space<vmem>>
    %dma_start3A_178 = arith.constant 0 : i32
    %dma_start3A_179 = arith.constant 0 : i32
    %dma_start3A_180 = tpu.memref_slice %arg3[%dma_start3A_178, %dma_start3A_179] : memref<1000000x128xf32, #tpu.memory_space<hbm>> -> memref<1000000x128xf32, #tpu.memory_space<hbm>>
    tpu.enqueue_indirect_dma source(%dma_start3A_180 : memref<1000000x128xf32, #tpu.memory_space<hbm>>) target(%dma_start3A_175 : memref<256x128xf32, #tpu.memory_space<vmem>>) offsets(%dma_start3A_177 : memref<256xi32, #tpu.memory_space<vmem>>) semaphore(%arg7 : memref<!tpu.dma_semaphore, #tpu.memory_space<semaphore_mem>>)
    %dma_wait3A_181 = arith.constant 1 : i32
    %dma_wait3A_182 = arith.constant 0 : i32
    %dma_wait3A_183 = arith.constant 0 : i32
    %dma_wait3A_184 = tpu.memref_slice %arg6[%dma_wait3A_181, %dma_wait3A_182, %dma_wait3A_183] : memref<2x256x128xf32, #tpu.memory_space<vmem>> -> memref<1x256x128xf32, #tpu.memory_space<vmem>>
    %dma_wait3A_185 = tpu.memref_squeeze %dma_wait3A_184 : memref<1x256x128xf32, #tpu.memory_space<vmem>> -> memref<256x128xf32, #tpu.memory_space<vmem>>
    %dma_wait3A_186 = arith.constant 768 : i32
    %dma_wait3A_187 = tpu.memref_slice %arg5[%dma_wait3A_186] : memref<2560xi32, #tpu.memory_space<vmem>> -> memref<256xi32, #tpu.memory_space<vmem>>
    %dma_wait3A_188 = arith.constant 0 : i32
    %dma_wait3A_189 = arith.constant 0 : i32
    %dma_wait3A_190 = tpu.memref_slice %arg3[%dma_wait3A_188, %dma_wait3A_189] : memref<1000000x128xf32, #tpu.memory_space<hbm>> -> memref<1000000x128xf32, #tpu.memory_space<hbm>>
    tpu.wait_indirect_dma semaphore(%arg8 : memref<!tpu.dma_semaphore, #tpu.memory_space<semaphore_mem>>) src(%dma_wait3A_190 : memref<1000000x128xf32, #tpu.memory_space<hbm>>) dst(%dma_wait3A_185 : memref<256x128xf32, #tpu.memory_space<vmem>>)
    %dma_start3A_191 = arith.constant 1 : i32
    %dma_start3A_192 = arith.constant 0 : i32
    %dma_start3A_193 = arith.constant 0 : i32
    %dma_start3A_194 = tpu.memref_slice %arg6[%dma_start3A_191, %dma_start3A_192, %dma_start3A_193] : memref<2x256x128xf32, #tpu.memory_space<vmem>> -> memref<1x256x64xf32, #tpu.memory_space<vmem>>
    %dma_start3A_195 = tpu.memref_squeeze %dma_start3A_194 : memref<1x256x64xf32, #tpu.memory_space<vmem>> -> memref<256x64xf32, #tpu.memory_space<vmem>>
    %dma_start3A_196 = arith.constant 768 : i32
    %dma_start3A_197 = arith.constant 0 : i32
    %dma_start3A_198 = tpu.memref_slice %arg4[%add3A, %dma_start3A_196, %dma_start3A_197] : memref<32x2560x64xf32, #tpu.memory_space<hbm>> -> memref<1x256x64xf32, #tpu.memory_space<hbm>>
    %dma_start3A_199 = tpu.memref_squeeze %dma_start3A_198 : memref<1x256x64xf32, #tpu.memory_space<hbm>> -> memref<256x64xf32, #tpu.memory_space<hbm>>
    %dma_start3A_200 = arith.constant 768 : i32
    %dma_start3A_201 = arith.constant 0 : i32
    %dma_start3A_202 = tpu.memref_slice %arg4[%add3A, %dma_start3A_200, %dma_start3A_201] : memref<32x2560x64xf32, #tpu.memory_space<hbm>> -> memref<1x256x64xf32, #tpu.memory_space<hbm>>
    %dma_start3A_203 = tpu.memref_squeeze %dma_start3A_202 : memref<1x256x64xf32, #tpu.memory_space<hbm>> -> memref<256x64xf32, #tpu.memory_space<hbm>>
    %dma_start3A_204 = arith.constant 0 : i32
    %dma_start3A_205 = arith.constant 0 : i32
    %dma_start3A_206 = tpu.memref_slice %arg6[%dma_start3A_191, %dma_start3A_204, %dma_start3A_205] : memref<2x256x128xf32, #tpu.memory_space<vmem>> -> memref<1x256x64xf32, #tpu.memory_space<vmem>>
    %dma_start3A_207 = tpu.memref_squeeze %dma_start3A_206 : memref<1x256x64xf32, #tpu.memory_space<vmem>> -> memref<256x64xf32, #tpu.memory_space<vmem>>
    tpu.enqueue_dma source(%dma_start3A_207 : memref<256x64xf32, #tpu.memory_space<vmem>>) target(%dma_start3A_203 : memref<256x64xf32, #tpu.memory_space<hbm>>) target_semaphore(%arg10 : memref<!tpu.dma_semaphore, #tpu.memory_space<semaphore_mem>>)
    %dma_wait3A_208 = arith.constant 1 : i32
    %dma_wait3A_209 = arith.constant 0 : i32
    %dma_wait3A_210 = arith.constant 0 : i32
    %dma_wait3A_211 = tpu.memref_slice %arg6[%dma_wait3A_208, %dma_wait3A_209, %dma_wait3A_210] : memref<2x256x128xf32, #tpu.memory_space<vmem>> -> memref<1x256x64xf32, #tpu.memory_space<vmem>>
    %dma_wait3A_212 = tpu.memref_squeeze %dma_wait3A_211 : memref<1x256x64xf32, #tpu.memory_space<vmem>> -> memref<256x64xf32, #tpu.memory_space<vmem>>
    %dma_wait3A_213 = arith.constant 768 : i32
    %dma_wait3A_214 = arith.constant 0 : i32
    %dma_wait3A_215 = tpu.memref_slice %arg4[%add3A, %dma_wait3A_213, %dma_wait3A_214] : memref<32x2560x64xf32, #tpu.memory_space<hbm>> -> memref<1x256x64xf32, #tpu.memory_space<hbm>>
    %dma_wait3A_216 = tpu.memref_squeeze %dma_wait3A_215 : memref<1x256x64xf32, #tpu.memory_space<hbm>> -> memref<256x64xf32, #tpu.memory_space<hbm>>
    %dma_wait3A_217 = arith.constant 768 : i32
    %dma_wait3A_218 = arith.constant 0 : i32
    %dma_wait3A_219 = tpu.memref_slice %arg4[%add3A, %dma_wait3A_217, %dma_wait3A_218] : memref<32x2560x64xf32, #tpu.memory_space<hbm>> -> memref<1x256x64xf32, #tpu.memory_space<hbm>>
    %dma_wait3A_220 = tpu.memref_squeeze %dma_wait3A_219 : memref<1x256x64xf32, #tpu.memory_space<hbm>> -> memref<256x64xf32, #tpu.memory_space<hbm>>
    %dma_wait3A_221 = arith.constant 0 : i32
    %dma_wait3A_222 = arith.constant 0 : i32
    %dma_wait3A_223 = tpu.memref_slice %arg6[%dma_wait3A_208, %dma_wait3A_221, %dma_wait3A_222] : memref<2x256x128xf32, #tpu.memory_space<vmem>> -> memref<1x256x64xf32, #tpu.memory_space<vmem>>
    %dma_wait3A_224 = tpu.memref_squeeze %dma_wait3A_223 : memref<1x256x64xf32, #tpu.memory_space<vmem>> -> memref<256x64xf32, #tpu.memory_space<vmem>>
    tpu.wait_dma2 semaphore(%arg10 : memref<!tpu.dma_semaphore, #tpu.memory_space<semaphore_mem>>) src(%dma_wait3A_224 : memref<256x64xf32, #tpu.memory_space<vmem>>) dst(%dma_wait3A_220 : memref<256x64xf32, #tpu.memory_space<hbm>>)
    %dma_start3A_225 = arith.constant 1 : i32
    %dma_start3A_226 = arith.constant 0 : i32
    %dma_start3A_227 = arith.constant 0 : i32
    %dma_start3A_228 = tpu.memref_slice %arg6[%dma_start3A_225, %dma_start3A_226, %dma_start3A_227] : memref<2x256x128xf32, #tpu.memory_space<vmem>> -> memref<1x256x128xf32, #tpu.memory_space<vmem>>
    %dma_start3A_229 = tpu.memref_squeeze %dma_start3A_228 : memref<1x256x128xf32, #tpu.memory_space<vmem>> -> memref<256x128xf32, #tpu.memory_space<vmem>>
    %dma_start3A_230 = arith.constant 1280 : i32
    %dma_start3A_231 = tpu.memref_slice %arg5[%dma_start3A_230] : memref<2560xi32, #tpu.memory_space<vmem>> -> memref<256xi32, #tpu.memory_space<vmem>>
    %dma_start3A_232 = arith.constant 0 : i32
    %dma_start3A_233 = arith.constant 0 : i32
    %dma_start3A_234 = tpu.memref_slice %arg3[%dma_start3A_232, %dma_start3A_233] : memref<1000000x128xf32, #tpu.memory_space<hbm>> -> memref<1000000x128xf32, #tpu.memory_space<hbm>>
    tpu.enqueue_indirect_dma source(%dma_start3A_234 : memref<1000000x128xf32, #tpu.memory_space<hbm>>) target(%dma_start3A_229 : memref<256x128xf32, #tpu.memory_space<vmem>>) offsets(%dma_start3A_231 : memref<256xi32, #tpu.memory_space<vmem>>) semaphore(%arg8 : memref<!tpu.dma_semaphore, #tpu.memory_space<semaphore_mem>>)
    %dma_wait3A_235 = arith.constant 0 : i32
    %dma_wait3A_236 = arith.constant 0 : i32
    %dma_wait3A_237 = arith.constant 0 : i32
    %dma_wait3A_238 = tpu.memref_slice %arg6[%dma_wait3A_235, %dma_wait3A_236, %dma_wait3A_237] : memref<2x256x128xf32, #tpu.memory_space<vmem>> -> memref<1x256x128xf32, #tpu.memory_space<vmem>>
    %dma_wait3A_239 = tpu.memref_squeeze %dma_wait3A_238 : memref<1x256x128xf32, #tpu.memory_space<vmem>> -> memref<256x128xf32, #tpu.memory_space<vmem>>
    %dma_wait3A_240 = arith.constant 1024 : i32
    %dma_wait3A_241 = tpu.memref_slice %arg5[%dma_wait3A_240] : memref<2560xi32, #tpu.memory_space<vmem>> -> memref<256xi32, #tpu.memory_space<vmem>>
    %dma_wait3A_242 = arith.constant 0 : i32
    %dma_wait3A_243 = arith.constant 0 : i32
    %dma_wait3A_244 = tpu.memref_slice %arg3[%dma_wait3A_242, %dma_wait3A_243] : memref<1000000x128xf32, #tpu.memory_space<hbm>> -> memref<1000000x128xf32, #tpu.memory_space<hbm>>
    tpu.wait_indirect_dma semaphore(%arg7 : memref<!tpu.dma_semaphore, #tpu.memory_space<semaphore_mem>>) src(%dma_wait3A_244 : memref<1000000x128xf32, #tpu.memory_space<hbm>>) dst(%dma_wait3A_239 : memref<256x128xf32, #tpu.memory_space<vmem>>)
    %dma_start3A_245 = arith.constant 0 : i32
    %dma_start3A_246 = arith.constant 0 : i32
    %dma_start3A_247 = arith.constant 0 : i32
    %dma_start3A_248 = tpu.memref_slice %arg6[%dma_start3A_245, %dma_start3A_246, %dma_start3A_247] : memref<2x256x128xf32, #tpu.memory_space<vmem>> -> memref<1x256x64xf32, #tpu.memory_space<vmem>>
    %dma_start3A_249 = tpu.memref_squeeze %dma_start3A_248 : memref<1x256x64xf32, #tpu.memory_space<vmem>> -> memref<256x64xf32, #tpu.memory_space<vmem>>
    %dma_start3A_250 = arith.constant 1024 : i32
    %dma_start3A_251 = arith.constant 0 : i32
    %dma_start3A_252 = tpu.memref_slice %arg4[%add3A, %dma_start3A_250, %dma_start3A_251] : memref<32x2560x64xf32, #tpu.memory_space<hbm>> -> memref<1x256x64xf32, #tpu.memory_space<hbm>>
    %dma_start3A_253 = tpu.memref_squeeze %dma_start3A_252 : memref<1x256x64xf32, #tpu.memory_space<hbm>> -> memref<256x64xf32, #tpu.memory_space<hbm>>
    %dma_start3A_254 = arith.constant 1024 : i32
    %dma_start3A_255 = arith.constant 0 : i32
    %dma_start3A_256 = tpu.memref_slice %arg4[%add3A, %dma_start3A_254, %dma_start3A_255] : memref<32x2560x64xf32, #tpu.memory_space<hbm>> -> memref<1x256x64xf32, #tpu.memory_space<hbm>>
    %dma_start3A_257 = tpu.memref_squeeze %dma_start3A_256 : memref<1x256x64xf32, #tpu.memory_space<hbm>> -> memref<256x64xf32, #tpu.memory_space<hbm>>
    %dma_start3A_258 = arith.constant 0 : i32
    %dma_start3A_259 = arith.constant 0 : i32
    %dma_start3A_260 = tpu.memref_slice %arg6[%dma_start3A_245, %dma_start3A_258, %dma_start3A_259] : memref<2x256x128xf32, #tpu.memory_space<vmem>> -> memref<1x256x64xf32, #tpu.memory_space<vmem>>
    %dma_start3A_261 = tpu.memref_squeeze %dma_start3A_260 : memref<1x256x64xf32, #tpu.memory_space<vmem>> -> memref<256x64xf32, #tpu.memory_space<vmem>>
    tpu.enqueue_dma source(%dma_start3A_261 : memref<256x64xf32, #tpu.memory_space<vmem>>) target(%dma_start3A_257 : memref<256x64xf32, #tpu.memory_space<hbm>>) target_semaphore(%arg9 : memref<!tpu.dma_semaphore, #tpu.memory_space<semaphore_mem>>)
    %dma_wait3A_262 = arith.constant 0 : i32
    %dma_wait3A_263 = arith.constant 0 : i32
    %dma_wait3A_264 = arith.constant 0 : i32
    %dma_wait3A_265 = tpu.memref_slice %arg6[%dma_wait3A_262, %dma_wait3A_263, %dma_wait3A_264] : memref<2x256x128xf32, #tpu.memory_space<vmem>> -> memref<1x256x64xf32, #tpu.memory_space<vmem>>
    %dma_wait3A_266 = tpu.memref_squeeze %dma_wait3A_265 : memref<1x256x64xf32, #tpu.memory_space<vmem>> -> memref<256x64xf32, #tpu.memory_space<vmem>>
    %dma_wait3A_267 = arith.constant 1024 : i32
    %dma_wait3A_268 = arith.constant 0 : i32
    %dma_wait3A_269 = tpu.memref_slice %arg4[%add3A, %dma_wait3A_267, %dma_wait3A_268] : memref<32x2560x64xf32, #tpu.memory_space<hbm>> -> memref<1x256x64xf32, #tpu.memory_space<hbm>>
    %dma_wait3A_270 = tpu.memref_squeeze %dma_wait3A_269 : memref<1x256x64xf32, #tpu.memory_space<hbm>> -> memref<256x64xf32, #tpu.memory_space<hbm>>
    %dma_wait3A_271 = arith.constant 1024 : i32
    %dma_wait3A_272 = arith.constant 0 : i32
    %dma_wait3A_273 = tpu.memref_slice %arg4[%add3A, %dma_wait3A_271, %dma_wait3A_272] : memref<32x2560x64xf32, #tpu.memory_space<hbm>> -> memref<1x256x64xf32, #tpu.memory_space<hbm>>
    %dma_wait3A_274 = tpu.memref_squeeze %dma_wait3A_273 : memref<1x256x64xf32, #tpu.memory_space<hbm>> -> memref<256x64xf32, #tpu.memory_space<hbm>>
    %dma_wait3A_275 = arith.constant 0 : i32
    %dma_wait3A_276 = arith.constant 0 : i32
    %dma_wait3A_277 = tpu.memref_slice %arg6[%dma_wait3A_262, %dma_wait3A_275, %dma_wait3A_276] : memref<2x256x128xf32, #tpu.memory_space<vmem>> -> memref<1x256x64xf32, #tpu.memory_space<vmem>>
    %dma_wait3A_278 = tpu.memref_squeeze %dma_wait3A_277 : memref<1x256x64xf32, #tpu.memory_space<vmem>> -> memref<256x64xf32, #tpu.memory_space<vmem>>
    tpu.wait_dma2 semaphore(%arg9 : memref<!tpu.dma_semaphore, #tpu.memory_space<semaphore_mem>>) src(%dma_wait3A_278 : memref<256x64xf32, #tpu.memory_space<vmem>>) dst(%dma_wait3A_274 : memref<256x64xf32, #tpu.memory_space<hbm>>)
    %dma_start3A_279 = arith.constant 0 : i32
    %dma_start3A_280 = arith.constant 0 : i32
    %dma_start3A_281 = arith.constant 0 : i32
    %dma_start3A_282 = tpu.memref_slice %arg6[%dma_start3A_279, %dma_start3A_280, %dma_start3A_281] : memref<2x256x128xf32, #tpu.memory_space<vmem>> -> memref<1x256x128xf32, #tpu.memory_space<vmem>>
    %dma_start3A_283 = tpu.memref_squeeze %dma_start3A_282 : memref<1x256x128xf32, #tpu.memory_space<vmem>> -> memref<256x128xf32, #tpu.memory_space<vmem>>
    %dma_start3A_284 = arith.constant 1536 : i32
    %dma_start3A_285 = tpu.memref_slice %arg5[%dma_start3A_284] : memref<2560xi32, #tpu.memory_space<vmem>> -> memref<256xi32, #tpu.memory_space<vmem>>
    %dma_start3A_286 = arith.constant 0 : i32
    %dma_start3A_287 = arith.constant 0 : i32
    %dma_start3A_288 = tpu.memref_slice %arg3[%dma_start3A_286, %dma_start3A_287] : memref<1000000x128xf32, #tpu.memory_space<hbm>> -> memref<1000000x128xf32, #tpu.memory_space<hbm>>
    tpu.enqueue_indirect_dma source(%dma_start3A_288 : memref<1000000x128xf32, #tpu.memory_space<hbm>>) target(%dma_start3A_283 : memref<256x128xf32, #tpu.memory_space<vmem>>) offsets(%dma_start3A_285 : memref<256xi32, #tpu.memory_space<vmem>>) semaphore(%arg7 : memref<!tpu.dma_semaphore, #tpu.memory_space<semaphore_mem>>)
    %dma_wait3A_289 = arith.constant 1 : i32
    %dma_wait3A_290 = arith.constant 0 : i32
    %dma_wait3A_291 = arith.constant 0 : i32
    %dma_wait3A_292 = tpu.memref_slice %arg6[%dma_wait3A_289, %dma_wait3A_290, %dma_wait3A_291] : memref<2x256x128xf32, #tpu.memory_space<vmem>> -> memref<1x256x128xf32, #tpu.memory_space<vmem>>
    %dma_wait3A_293 = tpu.memref_squeeze %dma_wait3A_292 : memref<1x256x128xf32, #tpu.memory_space<vmem>> -> memref<256x128xf32, #tpu.memory_space<vmem>>
    %dma_wait3A_294 = arith.constant 1280 : i32
    %dma_wait3A_295 = tpu.memref_slice %arg5[%dma_wait3A_294] : memref<2560xi32, #tpu.memory_space<vmem>> -> memref<256xi32, #tpu.memory_space<vmem>>
    %dma_wait3A_296 = arith.constant 0 : i32
    %dma_wait3A_297 = arith.constant 0 : i32
    %dma_wait3A_298 = tpu.memref_slice %arg3[%dma_wait3A_296, %dma_wait3A_297] : memref<1000000x128xf32, #tpu.memory_space<hbm>> -> memref<1000000x128xf32, #tpu.memory_space<hbm>>
    tpu.wait_indirect_dma semaphore(%arg8 : memref<!tpu.dma_semaphore, #tpu.memory_space<semaphore_mem>>) src(%dma_wait3A_298 : memref<1000000x128xf32, #tpu.memory_space<hbm>>) dst(%dma_wait3A_293 : memref<256x128xf32, #tpu.memory_space<vmem>>)
    %dma_start3A_299 = arith.constant 1 : i32
    %dma_start3A_300 = arith.constant 0 : i32
    %dma_start3A_301 = arith.constant 0 : i32
    %dma_start3A_302 = tpu.memref_slice %arg6[%dma_start3A_299, %dma_start3A_300, %dma_start3A_301] : memref<2x256x128xf32, #tpu.memory_space<vmem>> -> memref<1x256x64xf32, #tpu.memory_space<vmem>>
    %dma_start3A_303 = tpu.memref_squeeze %dma_start3A_302 : memref<1x256x64xf32, #tpu.memory_space<vmem>> -> memref<256x64xf32, #tpu.memory_space<vmem>>
    %dma_start3A_304 = arith.constant 1280 : i32
    %dma_start3A_305 = arith.constant 0 : i32
    %dma_start3A_306 = tpu.memref_slice %arg4[%add3A, %dma_start3A_304, %dma_start3A_305] : memref<32x2560x64xf32, #tpu.memory_space<hbm>> -> memref<1x256x64xf32, #tpu.memory_space<hbm>>
    %dma_start3A_307 = tpu.memref_squeeze %dma_start3A_306 : memref<1x256x64xf32, #tpu.memory_space<hbm>> -> memref<256x64xf32, #tpu.memory_space<hbm>>
    %dma_start3A_308 = arith.constant 1280 : i32
    %dma_start3A_309 = arith.constant 0 : i32
    %dma_start3A_310 = tpu.memref_slice %arg4[%add3A, %dma_start3A_308, %dma_start3A_309] : memref<32x2560x64xf32, #tpu.memory_space<hbm>> -> memref<1x256x64xf32, #tpu.memory_space<hbm>>
    %dma_start3A_311 = tpu.memref_squeeze %dma_start3A_310 : memref<1x256x64xf32, #tpu.memory_space<hbm>> -> memref<256x64xf32, #tpu.memory_space<hbm>>
    %dma_start3A_312 = arith.constant 0 : i32
    %dma_start3A_313 = arith.constant 0 : i32
    %dma_start3A_314 = tpu.memref_slice %arg6[%dma_start3A_299, %dma_start3A_312, %dma_start3A_313] : memref<2x256x128xf32, #tpu.memory_space<vmem>> -> memref<1x256x64xf32, #tpu.memory_space<vmem>>
    %dma_start3A_315 = tpu.memref_squeeze %dma_start3A_314 : memref<1x256x64xf32, #tpu.memory_space<vmem>> -> memref<256x64xf32, #tpu.memory_space<vmem>>
    tpu.enqueue_dma source(%dma_start3A_315 : memref<256x64xf32, #tpu.memory_space<vmem>>) target(%dma_start3A_311 : memref<256x64xf32, #tpu.memory_space<hbm>>) target_semaphore(%arg10 : memref<!tpu.dma_semaphore, #tpu.memory_space<semaphore_mem>>)
    %dma_wait3A_316 = arith.constant 1 : i32
    %dma_wait3A_317 = arith.constant 0 : i32
    %dma_wait3A_318 = arith.constant 0 : i32
    %dma_wait3A_319 = tpu.memref_slice %arg6[%dma_wait3A_316, %dma_wait3A_317, %dma_wait3A_318] : memref<2x256x128xf32, #tpu.memory_space<vmem>> -> memref<1x256x64xf32, #tpu.memory_space<vmem>>
    %dma_wait3A_320 = tpu.memref_squeeze %dma_wait3A_319 : memref<1x256x64xf32, #tpu.memory_space<vmem>> -> memref<256x64xf32, #tpu.memory_space<vmem>>
    %dma_wait3A_321 = arith.constant 1280 : i32
    %dma_wait3A_322 = arith.constant 0 : i32
    %dma_wait3A_323 = tpu.memref_slice %arg4[%add3A, %dma_wait3A_321, %dma_wait3A_322] : memref<32x2560x64xf32, #tpu.memory_space<hbm>> -> memref<1x256x64xf32, #tpu.memory_space<hbm>>
    %dma_wait3A_324 = tpu.memref_squeeze %dma_wait3A_323 : memref<1x256x64xf32, #tpu.memory_space<hbm>> -> memref<256x64xf32, #tpu.memory_space<hbm>>
    %dma_wait3A_325 = arith.constant 1280 : i32
    %dma_wait3A_326 = arith.constant 0 : i32
    %dma_wait3A_327 = tpu.memref_slice %arg4[%add3A, %dma_wait3A_325, %dma_wait3A_326] : memref<32x2560x64xf32, #tpu.memory_space<hbm>> -> memref<1x256x64xf32, #tpu.memory_space<hbm>>
    %dma_wait3A_328 = tpu.memref_squeeze %dma_wait3A_327 : memref<1x256x64xf32, #tpu.memory_space<hbm>> -> memref<256x64xf32, #tpu.memory_space<hbm>>
    %dma_wait3A_329 = arith.constant 0 : i32
    %dma_wait3A_330 = arith.constant 0 : i32
    %dma_wait3A_331 = tpu.memref_slice %arg6[%dma_wait3A_316, %dma_wait3A_329, %dma_wait3A_330] : memref<2x256x128xf32, #tpu.memory_space<vmem>> -> memref<1x256x64xf32, #tpu.memory_space<vmem>>
    %dma_wait3A_332 = tpu.memref_squeeze %dma_wait3A_331 : memref<1x256x64xf32, #tpu.memory_space<vmem>> -> memref<256x64xf32, #tpu.memory_space<vmem>>
    tpu.wait_dma2 semaphore(%arg10 : memref<!tpu.dma_semaphore, #tpu.memory_space<semaphore_mem>>) src(%dma_wait3A_332 : memref<256x64xf32, #tpu.memory_space<vmem>>) dst(%dma_wait3A_328 : memref<256x64xf32, #tpu.memory_space<hbm>>)
    %dma_start3A_333 = arith.constant 1 : i32
    %dma_start3A_334 = arith.constant 0 : i32
    %dma_start3A_335 = arith.constant 0 : i32
    %dma_start3A_336 = tpu.memref_slice %arg6[%dma_start3A_333, %dma_start3A_334, %dma_start3A_335] : memref<2x256x128xf32, #tpu.memory_space<vmem>> -> memref<1x256x128xf32, #tpu.memory_space<vmem>>
    %dma_start3A_337 = tpu.memref_squeeze %dma_start3A_336 : memref<1x256x128xf32, #tpu.memory_space<vmem>> -> memref<256x128xf32, #tpu.memory_space<vmem>>
    %dma_start3A_338 = arith.constant 1792 : i32
    %dma_start3A_339 = tpu.memref_slice %arg5[%dma_start3A_338] : memref<2560xi32, #tpu.memory_space<vmem>> -> memref<256xi32, #tpu.memory_space<vmem>>
    %dma_start3A_340 = arith.constant 0 : i32
    %dma_start3A_341 = arith.constant 0 : i32
    %dma_start3A_342 = tpu.memref_slice %arg3[%dma_start3A_340, %dma_start3A_341] : memref<1000000x128xf32, #tpu.memory_space<hbm>> -> memref<1000000x128xf32, #tpu.memory_space<hbm>>
    tpu.enqueue_indirect_dma source(%dma_start3A_342 : memref<1000000x128xf32, #tpu.memory_space<hbm>>) target(%dma_start3A_337 : memref<256x128xf32, #tpu.memory_space<vmem>>) offsets(%dma_start3A_339 : memref<256xi32, #tpu.memory_space<vmem>>) semaphore(%arg8 : memref<!tpu.dma_semaphore, #tpu.memory_space<semaphore_mem>>)
    %dma_wait3A_343 = arith.constant 0 : i32
    %dma_wait3A_344 = arith.constant 0 : i32
    %dma_wait3A_345 = arith.constant 0 : i32
    %dma_wait3A_346 = tpu.memref_slice %arg6[%dma_wait3A_343, %dma_wait3A_344, %dma_wait3A_345] : memref<2x256x128xf32, #tpu.memory_space<vmem>> -> memref<1x256x128xf32, #tpu.memory_space<vmem>>
    %dma_wait3A_347 = tpu.memref_squeeze %dma_wait3A_346 : memref<1x256x128xf32, #tpu.memory_space<vmem>> -> memref<256x128xf32, #tpu.memory_space<vmem>>
    %dma_wait3A_348 = arith.constant 1536 : i32
    %dma_wait3A_349 = tpu.memref_slice %arg5[%dma_wait3A_348] : memref<2560xi32, #tpu.memory_space<vmem>> -> memref<256xi32, #tpu.memory_space<vmem>>
    %dma_wait3A_350 = arith.constant 0 : i32
    %dma_wait3A_351 = arith.constant 0 : i32
    %dma_wait3A_352 = tpu.memref_slice %arg3[%dma_wait3A_350, %dma_wait3A_351] : memref<1000000x128xf32, #tpu.memory_space<hbm>> -> memref<1000000x128xf32, #tpu.memory_space<hbm>>
    tpu.wait_indirect_dma semaphore(%arg7 : memref<!tpu.dma_semaphore, #tpu.memory_space<semaphore_mem>>) src(%dma_wait3A_352 : memref<1000000x128xf32, #tpu.memory_space<hbm>>) dst(%dma_wait3A_347 : memref<256x128xf32, #tpu.memory_space<vmem>>)
    %dma_start3A_353 = arith.constant 0 : i32
    %dma_start3A_354 = arith.constant 0 : i32
    %dma_start3A_355 = arith.constant 0 : i32
    %dma_start3A_356 = tpu.memref_slice %arg6[%dma_start3A_353, %dma_start3A_354, %dma_start3A_355] : memref<2x256x128xf32, #tpu.memory_space<vmem>> -> memref<1x256x64xf32, #tpu.memory_space<vmem>>
    %dma_start3A_357 = tpu.memref_squeeze %dma_start3A_356 : memref<1x256x64xf32, #tpu.memory_space<vmem>> -> memref<256x64xf32, #tpu.memory_space<vmem>>
    %dma_start3A_358 = arith.constant 1536 : i32
    %dma_start3A_359 = arith.constant 0 : i32
    %dma_start3A_360 = tpu.memref_slice %arg4[%add3A, %dma_start3A_358, %dma_start3A_359] : memref<32x2560x64xf32, #tpu.memory_space<hbm>> -> memref<1x256x64xf32, #tpu.memory_space<hbm>>
    %dma_start3A_361 = tpu.memref_squeeze %dma_start3A_360 : memref<1x256x64xf32, #tpu.memory_space<hbm>> -> memref<256x64xf32, #tpu.memory_space<hbm>>
    %dma_start3A_362 = arith.constant 1536 : i32
    %dma_start3A_363 = arith.constant 0 : i32
    %dma_start3A_364 = tpu.memref_slice %arg4[%add3A, %dma_start3A_362, %dma_start3A_363] : memref<32x2560x64xf32, #tpu.memory_space<hbm>> -> memref<1x256x64xf32, #tpu.memory_space<hbm>>
    %dma_start3A_365 = tpu.memref_squeeze %dma_start3A_364 : memref<1x256x64xf32, #tpu.memory_space<hbm>> -> memref<256x64xf32, #tpu.memory_space<hbm>>
    %dma_start3A_366 = arith.constant 0 : i32
    %dma_start3A_367 = arith.constant 0 : i32
    %dma_start3A_368 = tpu.memref_slice %arg6[%dma_start3A_353, %dma_start3A_366, %dma_start3A_367] : memref<2x256x128xf32, #tpu.memory_space<vmem>> -> memref<1x256x64xf32, #tpu.memory_space<vmem>>
    %dma_start3A_369 = tpu.memref_squeeze %dma_start3A_368 : memref<1x256x64xf32, #tpu.memory_space<vmem>> -> memref<256x64xf32, #tpu.memory_space<vmem>>
    tpu.enqueue_dma source(%dma_start3A_369 : memref<256x64xf32, #tpu.memory_space<vmem>>) target(%dma_start3A_365 : memref<256x64xf32, #tpu.memory_space<hbm>>) target_semaphore(%arg9 : memref<!tpu.dma_semaphore, #tpu.memory_space<semaphore_mem>>)
    %dma_wait3A_370 = arith.constant 0 : i32
    %dma_wait3A_371 = arith.constant 0 : i32
    %dma_wait3A_372 = arith.constant 0 : i32
    %dma_wait3A_373 = tpu.memref_slice %arg6[%dma_wait3A_370, %dma_wait3A_371, %dma_wait3A_372] : memref<2x256x128xf32, #tpu.memory_space<vmem>> -> memref<1x256x64xf32, #tpu.memory_space<vmem>>
    %dma_wait3A_374 = tpu.memref_squeeze %dma_wait3A_373 : memref<1x256x64xf32, #tpu.memory_space<vmem>> -> memref<256x64xf32, #tpu.memory_space<vmem>>
    %dma_wait3A_375 = arith.constant 1536 : i32
    %dma_wait3A_376 = arith.constant 0 : i32
    %dma_wait3A_377 = tpu.memref_slice %arg4[%add3A, %dma_wait3A_375, %dma_wait3A_376] : memref<32x2560x64xf32, #tpu.memory_space<hbm>> -> memref<1x256x64xf32, #tpu.memory_space<hbm>>
    %dma_wait3A_378 = tpu.memref_squeeze %dma_wait3A_377 : memref<1x256x64xf32, #tpu.memory_space<hbm>> -> memref<256x64xf32, #tpu.memory_space<hbm>>
    %dma_wait3A_379 = arith.constant 1536 : i32
    %dma_wait3A_380 = arith.constant 0 : i32
    %dma_wait3A_381 = tpu.memref_slice %arg4[%add3A, %dma_wait3A_379, %dma_wait3A_380] : memref<32x2560x64xf32, #tpu.memory_space<hbm>> -> memref<1x256x64xf32, #tpu.memory_space<hbm>>
    %dma_wait3A_382 = tpu.memref_squeeze %dma_wait3A_381 : memref<1x256x64xf32, #tpu.memory_space<hbm>> -> memref<256x64xf32, #tpu.memory_space<hbm>>
    %dma_wait3A_383 = arith.constant 0 : i32
    %dma_wait3A_384 = arith.constant 0 : i32
    %dma_wait3A_385 = tpu.memref_slice %arg6[%dma_wait3A_370, %dma_wait3A_383, %dma_wait3A_384] : memref<2x256x128xf32, #tpu.memory_space<vmem>> -> memref<1x256x64xf32, #tpu.memory_space<vmem>>
    %dma_wait3A_386 = tpu.memref_squeeze %dma_wait3A_385 : memref<1x256x64xf32, #tpu.memory_space<vmem>> -> memref<256x64xf32, #tpu.memory_space<vmem>>
    tpu.wait_dma2 semaphore(%arg9 : memref<!tpu.dma_semaphore, #tpu.memory_space<semaphore_mem>>) src(%dma_wait3A_386 : memref<256x64xf32, #tpu.memory_space<vmem>>) dst(%dma_wait3A_382 : memref<256x64xf32, #tpu.memory_space<hbm>>)
    %dma_start3A_387 = arith.constant 0 : i32
    %dma_start3A_388 = arith.constant 0 : i32
    %dma_start3A_389 = arith.constant 0 : i32
    %dma_start3A_390 = tpu.memref_slice %arg6[%dma_start3A_387, %dma_start3A_388, %dma_start3A_389] : memref<2x256x128xf32, #tpu.memory_space<vmem>> -> memref<1x256x128xf32, #tpu.memory_space<vmem>>
    %dma_start3A_391 = tpu.memref_squeeze %dma_start3A_390 : memref<1x256x128xf32, #tpu.memory_space<vmem>> -> memref<256x128xf32, #tpu.memory_space<vmem>>
    %dma_start3A_392 = arith.constant 2048 : i32
    %dma_start3A_393 = tpu.memref_slice %arg5[%dma_start3A_392] : memref<2560xi32, #tpu.memory_space<vmem>> -> memref<256xi32, #tpu.memory_space<vmem>>
    %dma_start3A_394 = arith.constant 0 : i32
    %dma_start3A_395 = arith.constant 0 : i32
    %dma_start3A_396 = tpu.memref_slice %arg3[%dma_start3A_394, %dma_start3A_395] : memref<1000000x128xf32, #tpu.memory_space<hbm>> -> memref<1000000x128xf32, #tpu.memory_space<hbm>>
    tpu.enqueue_indirect_dma source(%dma_start3A_396 : memref<1000000x128xf32, #tpu.memory_space<hbm>>) target(%dma_start3A_391 : memref<256x128xf32, #tpu.memory_space<vmem>>) offsets(%dma_start3A_393 : memref<256xi32, #tpu.memory_space<vmem>>) semaphore(%arg7 : memref<!tpu.dma_semaphore, #tpu.memory_space<semaphore_mem>>)
    %dma_wait3A_397 = arith.constant 1 : i32
    %dma_wait3A_398 = arith.constant 0 : i32
    %dma_wait3A_399 = arith.constant 0 : i32
    %dma_wait3A_400 = tpu.memref_slice %arg6[%dma_wait3A_397, %dma_wait3A_398, %dma_wait3A_399] : memref<2x256x128xf32, #tpu.memory_space<vmem>> -> memref<1x256x128xf32, #tpu.memory_space<vmem>>
    %dma_wait3A_401 = tpu.memref_squeeze %dma_wait3A_400 : memref<1x256x128xf32, #tpu.memory_space<vmem>> -> memref<256x128xf32, #tpu.memory_space<vmem>>
    %dma_wait3A_402 = arith.constant 1792 : i32
    %dma_wait3A_403 = tpu.memref_slice %arg5[%dma_wait3A_402] : memref<2560xi32, #tpu.memory_space<vmem>> -> memref<256xi32, #tpu.memory_space<vmem>>
    %dma_wait3A_404 = arith.constant 0 : i32
    %dma_wait3A_405 = arith.constant 0 : i32
    %dma_wait3A_406 = tpu.memref_slice %arg3[%dma_wait3A_404, %dma_wait3A_405] : memref<1000000x128xf32, #tpu.memory_space<hbm>> -> memref<1000000x128xf32, #tpu.memory_space<hbm>>
    tpu.wait_indirect_dma semaphore(%arg8 : memref<!tpu.dma_semaphore, #tpu.memory_space<semaphore_mem>>) src(%dma_wait3A_406 : memref<1000000x128xf32, #tpu.memory_space<hbm>>) dst(%dma_wait3A_401 : memref<256x128xf32, #tpu.memory_space<vmem>>)
    %dma_start3A_407 = arith.constant 1 : i32
    %dma_start3A_408 = arith.constant 0 : i32
    %dma_start3A_409 = arith.constant 0 : i32
    %dma_start3A_410 = tpu.memref_slice %arg6[%dma_start3A_407, %dma_start3A_408, %dma_start3A_409] : memref<2x256x128xf32, #tpu.memory_space<vmem>> -> memref<1x256x64xf32, #tpu.memory_space<vmem>>
    %dma_start3A_411 = tpu.memref_squeeze %dma_start3A_410 : memref<1x256x64xf32, #tpu.memory_space<vmem>> -> memref<256x64xf32, #tpu.memory_space<vmem>>
    %dma_start3A_412 = arith.constant 1792 : i32
    %dma_start3A_413 = arith.constant 0 : i32
    %dma_start3A_414 = tpu.memref_slice %arg4[%add3A, %dma_start3A_412, %dma_start3A_413] : memref<32x2560x64xf32, #tpu.memory_space<hbm>> -> memref<1x256x64xf32, #tpu.memory_space<hbm>>
    %dma_start3A_415 = tpu.memref_squeeze %dma_start3A_414 : memref<1x256x64xf32, #tpu.memory_space<hbm>> -> memref<256x64xf32, #tpu.memory_space<hbm>>
    %dma_start3A_416 = arith.constant 1792 : i32
    %dma_start3A_417 = arith.constant 0 : i32
    %dma_start3A_418 = tpu.memref_slice %arg4[%add3A, %dma_start3A_416, %dma_start3A_417] : memref<32x2560x64xf32, #tpu.memory_space<hbm>> -> memref<1x256x64xf32, #tpu.memory_space<hbm>>
    %dma_start3A_419 = tpu.memref_squeeze %dma_start3A_418 : memref<1x256x64xf32, #tpu.memory_space<hbm>> -> memref<256x64xf32, #tpu.memory_space<hbm>>
    %dma_start3A_420 = arith.constant 0 : i32
    %dma_start3A_421 = arith.constant 0 : i32
    %dma_start3A_422 = tpu.memref_slice %arg6[%dma_start3A_407, %dma_start3A_420, %dma_start3A_421] : memref<2x256x128xf32, #tpu.memory_space<vmem>> -> memref<1x256x64xf32, #tpu.memory_space<vmem>>
    %dma_start3A_423 = tpu.memref_squeeze %dma_start3A_422 : memref<1x256x64xf32, #tpu.memory_space<vmem>> -> memref<256x64xf32, #tpu.memory_space<vmem>>
    tpu.enqueue_dma source(%dma_start3A_423 : memref<256x64xf32, #tpu.memory_space<vmem>>) target(%dma_start3A_419 : memref<256x64xf32, #tpu.memory_space<hbm>>) target_semaphore(%arg10 : memref<!tpu.dma_semaphore, #tpu.memory_space<semaphore_mem>>)
    %dma_wait3A_424 = arith.constant 1 : i32
    %dma_wait3A_425 = arith.constant 0 : i32
    %dma_wait3A_426 = arith.constant 0 : i32
    %dma_wait3A_427 = tpu.memref_slice %arg6[%dma_wait3A_424, %dma_wait3A_425, %dma_wait3A_426] : memref<2x256x128xf32, #tpu.memory_space<vmem>> -> memref<1x256x64xf32, #tpu.memory_space<vmem>>
    %dma_wait3A_428 = tpu.memref_squeeze %dma_wait3A_427 : memref<1x256x64xf32, #tpu.memory_space<vmem>> -> memref<256x64xf32, #tpu.memory_space<vmem>>
    %dma_wait3A_429 = arith.constant 1792 : i32
    %dma_wait3A_430 = arith.constant 0 : i32
    %dma_wait3A_431 = tpu.memref_slice %arg4[%add3A, %dma_wait3A_429, %dma_wait3A_430] : memref<32x2560x64xf32, #tpu.memory_space<hbm>> -> memref<1x256x64xf32, #tpu.memory_space<hbm>>
    %dma_wait3A_432 = tpu.memref_squeeze %dma_wait3A_431 : memref<1x256x64xf32, #tpu.memory_space<hbm>> -> memref<256x64xf32, #tpu.memory_space<hbm>>
    %dma_wait3A_433 = arith.constant 1792 : i32
    %dma_wait3A_434 = arith.constant 0 : i32
    %dma_wait3A_435 = tpu.memref_slice %arg4[%add3A, %dma_wait3A_433, %dma_wait3A_434] : memref<32x2560x64xf32, #tpu.memory_space<hbm>> -> memref<1x256x64xf32, #tpu.memory_space<hbm>>
    %dma_wait3A_436 = tpu.memref_squeeze %dma_wait3A_435 : memref<1x256x64xf32, #tpu.memory_space<hbm>> -> memref<256x64xf32, #tpu.memory_space<hbm>>
    %dma_wait3A_437 = arith.constant 0 : i32
    %dma_wait3A_438 = arith.constant 0 : i32
    %dma_wait3A_439 = tpu.memref_slice %arg6[%dma_wait3A_424, %dma_wait3A_437, %dma_wait3A_438] : memref<2x256x128xf32, #tpu.memory_space<vmem>> -> memref<1x256x64xf32, #tpu.memory_space<vmem>>
    %dma_wait3A_440 = tpu.memref_squeeze %dma_wait3A_439 : memref<1x256x64xf32, #tpu.memory_space<vmem>> -> memref<256x64xf32, #tpu.memory_space<vmem>>
    tpu.wait_dma2 semaphore(%arg10 : memref<!tpu.dma_semaphore, #tpu.memory_space<semaphore_mem>>) src(%dma_wait3A_440 : memref<256x64xf32, #tpu.memory_space<vmem>>) dst(%dma_wait3A_436 : memref<256x64xf32, #tpu.memory_space<hbm>>)
    %dma_start3A_441 = arith.constant 1 : i32
    %dma_start3A_442 = arith.constant 0 : i32
    %dma_start3A_443 = arith.constant 0 : i32
    %dma_start3A_444 = tpu.memref_slice %arg6[%dma_start3A_441, %dma_start3A_442, %dma_start3A_443] : memref<2x256x128xf32, #tpu.memory_space<vmem>> -> memref<1x256x128xf32, #tpu.memory_space<vmem>>
    %dma_start3A_445 = tpu.memref_squeeze %dma_start3A_444 : memref<1x256x128xf32, #tpu.memory_space<vmem>> -> memref<256x128xf32, #tpu.memory_space<vmem>>
    %dma_start3A_446 = arith.constant 2304 : i32
    %dma_start3A_447 = tpu.memref_slice %arg5[%dma_start3A_446] : memref<2560xi32, #tpu.memory_space<vmem>> -> memref<256xi32, #tpu.memory_space<vmem>>
    %dma_start3A_448 = arith.constant 0 : i32
    %dma_start3A_449 = arith.constant 0 : i32
    %dma_start3A_450 = tpu.memref_slice %arg3[%dma_start3A_448, %dma_start3A_449] : memref<1000000x128xf32, #tpu.memory_space<hbm>> -> memref<1000000x128xf32, #tpu.memory_space<hbm>>
    tpu.enqueue_indirect_dma source(%dma_start3A_450 : memref<1000000x128xf32, #tpu.memory_space<hbm>>) target(%dma_start3A_445 : memref<256x128xf32, #tpu.memory_space<vmem>>) offsets(%dma_start3A_447 : memref<256xi32, #tpu.memory_space<vmem>>) semaphore(%arg8 : memref<!tpu.dma_semaphore, #tpu.memory_space<semaphore_mem>>)
    %dma_wait3A_451 = arith.constant 0 : i32
    %dma_wait3A_452 = arith.constant 0 : i32
    %dma_wait3A_453 = arith.constant 0 : i32
    %dma_wait3A_454 = tpu.memref_slice %arg6[%dma_wait3A_451, %dma_wait3A_452, %dma_wait3A_453] : memref<2x256x128xf32, #tpu.memory_space<vmem>> -> memref<1x256x128xf32, #tpu.memory_space<vmem>>
    %dma_wait3A_455 = tpu.memref_squeeze %dma_wait3A_454 : memref<1x256x128xf32, #tpu.memory_space<vmem>> -> memref<256x128xf32, #tpu.memory_space<vmem>>
    %dma_wait3A_456 = arith.constant 2048 : i32
    %dma_wait3A_457 = tpu.memref_slice %arg5[%dma_wait3A_456] : memref<2560xi32, #tpu.memory_space<vmem>> -> memref<256xi32, #tpu.memory_space<vmem>>
    %dma_wait3A_458 = arith.constant 0 : i32
    %dma_wait3A_459 = arith.constant 0 : i32
    %dma_wait3A_460 = tpu.memref_slice %arg3[%dma_wait3A_458, %dma_wait3A_459] : memref<1000000x128xf32, #tpu.memory_space<hbm>> -> memref<1000000x128xf32, #tpu.memory_space<hbm>>
    tpu.wait_indirect_dma semaphore(%arg7 : memref<!tpu.dma_semaphore, #tpu.memory_space<semaphore_mem>>) src(%dma_wait3A_460 : memref<1000000x128xf32, #tpu.memory_space<hbm>>) dst(%dma_wait3A_455 : memref<256x128xf32, #tpu.memory_space<vmem>>)
    %dma_start3A_461 = arith.constant 0 : i32
    %dma_start3A_462 = arith.constant 0 : i32
    %dma_start3A_463 = arith.constant 0 : i32
    %dma_start3A_464 = tpu.memref_slice %arg6[%dma_start3A_461, %dma_start3A_462, %dma_start3A_463] : memref<2x256x128xf32, #tpu.memory_space<vmem>> -> memref<1x256x64xf32, #tpu.memory_space<vmem>>
    %dma_start3A_465 = tpu.memref_squeeze %dma_start3A_464 : memref<1x256x64xf32, #tpu.memory_space<vmem>> -> memref<256x64xf32, #tpu.memory_space<vmem>>
    %dma_start3A_466 = arith.constant 2048 : i32
    %dma_start3A_467 = arith.constant 0 : i32
    %dma_start3A_468 = tpu.memref_slice %arg4[%add3A, %dma_start3A_466, %dma_start3A_467] : memref<32x2560x64xf32, #tpu.memory_space<hbm>> -> memref<1x256x64xf32, #tpu.memory_space<hbm>>
    %dma_start3A_469 = tpu.memref_squeeze %dma_start3A_468 : memref<1x256x64xf32, #tpu.memory_space<hbm>> -> memref<256x64xf32, #tpu.memory_space<hbm>>
    %dma_start3A_470 = arith.constant 2048 : i32
    %dma_start3A_471 = arith.constant 0 : i32
    %dma_start3A_472 = tpu.memref_slice %arg4[%add3A, %dma_start3A_470, %dma_start3A_471] : memref<32x2560x64xf32, #tpu.memory_space<hbm>> -> memref<1x256x64xf32, #tpu.memory_space<hbm>>
    %dma_start3A_473 = tpu.memref_squeeze %dma_start3A_472 : memref<1x256x64xf32, #tpu.memory_space<hbm>> -> memref<256x64xf32, #tpu.memory_space<hbm>>
    %dma_start3A_474 = arith.constant 0 : i32
    %dma_start3A_475 = arith.constant 0 : i32
    %dma_start3A_476 = tpu.memref_slice %arg6[%dma_start3A_461, %dma_start3A_474, %dma_start3A_475] : memref<2x256x128xf32, #tpu.memory_space<vmem>> -> memref<1x256x64xf32, #tpu.memory_space<vmem>>
    %dma_start3A_477 = tpu.memref_squeeze %dma_start3A_476 : memref<1x256x64xf32, #tpu.memory_space<vmem>> -> memref<256x64xf32, #tpu.memory_space<vmem>>
    tpu.enqueue_dma source(%dma_start3A_477 : memref<256x64xf32, #tpu.memory_space<vmem>>) target(%dma_start3A_473 : memref<256x64xf32, #tpu.memory_space<hbm>>) target_semaphore(%arg9 : memref<!tpu.dma_semaphore, #tpu.memory_space<semaphore_mem>>)
    %dma_wait3A_478 = arith.constant 1 : i32
    %dma_wait3A_479 = arith.constant 0 : i32
    %dma_wait3A_480 = arith.constant 0 : i32
    %dma_wait3A_481 = tpu.memref_slice %arg6[%dma_wait3A_478, %dma_wait3A_479, %dma_wait3A_480] : memref<2x256x128xf32, #tpu.memory_space<vmem>> -> memref<1x256x128xf32, #tpu.memory_space<vmem>>
    %dma_wait3A_482 = tpu.memref_squeeze %dma_wait3A_481 : memref<1x256x128xf32, #tpu.memory_space<vmem>> -> memref<256x128xf32, #tpu.memory_space<vmem>>
    %dma_wait3A_483 = arith.constant 2304 : i32
    %dma_wait3A_484 = tpu.memref_slice %arg5[%dma_wait3A_483] : memref<2560xi32, #tpu.memory_space<vmem>> -> memref<256xi32, #tpu.memory_space<vmem>>
    %dma_wait3A_485 = arith.constant 0 : i32
    %dma_wait3A_486 = arith.constant 0 : i32
    %dma_wait3A_487 = tpu.memref_slice %arg3[%dma_wait3A_485, %dma_wait3A_486] : memref<1000000x128xf32, #tpu.memory_space<hbm>> -> memref<1000000x128xf32, #tpu.memory_space<hbm>>
    tpu.wait_indirect_dma semaphore(%arg8 : memref<!tpu.dma_semaphore, #tpu.memory_space<semaphore_mem>>) src(%dma_wait3A_487 : memref<1000000x128xf32, #tpu.memory_space<hbm>>) dst(%dma_wait3A_482 : memref<256x128xf32, #tpu.memory_space<vmem>>)
    %dma_start3A_488 = arith.constant 1 : i32
    %dma_start3A_489 = arith.constant 0 : i32
    %dma_start3A_490 = arith.constant 0 : i32
    %dma_start3A_491 = tpu.memref_slice %arg6[%dma_start3A_488, %dma_start3A_489, %dma_start3A_490] : memref<2x256x128xf32, #tpu.memory_space<vmem>> -> memref<1x256x64xf32, #tpu.memory_space<vmem>>
    %dma_start3A_492 = tpu.memref_squeeze %dma_start3A_491 : memref<1x256x64xf32, #tpu.memory_space<vmem>> -> memref<256x64xf32, #tpu.memory_space<vmem>>
    %dma_start3A_493 = arith.constant 2304 : i32
    %dma_start3A_494 = arith.constant 0 : i32
    %dma_start3A_495 = tpu.memref_slice %arg4[%add3A, %dma_start3A_493, %dma_start3A_494] : memref<32x2560x64xf32, #tpu.memory_space<hbm>> -> memref<1x256x64xf32, #tpu.memory_space<hbm>>
    %dma_start3A_496 = tpu.memref_squeeze %dma_start3A_495 : memref<1x256x64xf32, #tpu.memory_space<hbm>> -> memref<256x64xf32, #tpu.memory_space<hbm>>
    %dma_start3A_497 = arith.constant 2304 : i32
    %dma_start3A_498 = arith.constant 0 : i32
    %dma_start3A_499 = tpu.memref_slice %arg4[%add3A, %dma_start3A_497, %dma_start3A_498] : memref<32x2560x64xf32, #tpu.memory_space<hbm>> -> memref<1x256x64xf32, #tpu.memory_space<hbm>>
    %dma_start3A_500 = tpu.memref_squeeze %dma_start3A_499 : memref<1x256x64xf32, #tpu.memory_space<hbm>> -> memref<256x64xf32, #tpu.memory_space<hbm>>
    %dma_start3A_501 = arith.constant 0 : i32
    %dma_start3A_502 = arith.constant 0 : i32
    %dma_start3A_503 = tpu.memref_slice %arg6[%dma_start3A_488, %dma_start3A_501, %dma_start3A_502] : memref<2x256x128xf32, #tpu.memory_space<vmem>> -> memref<1x256x64xf32, #tpu.memory_space<vmem>>
    %dma_start3A_504 = tpu.memref_squeeze %dma_start3A_503 : memref<1x256x64xf32, #tpu.memory_space<vmem>> -> memref<256x64xf32, #tpu.memory_space<vmem>>
    tpu.enqueue_dma source(%dma_start3A_504 : memref<256x64xf32, #tpu.memory_space<vmem>>) target(%dma_start3A_500 : memref<256x64xf32, #tpu.memory_space<hbm>>) target_semaphore(%arg10 : memref<!tpu.dma_semaphore, #tpu.memory_space<semaphore_mem>>)
    %dma_wait3A_505 = arith.constant 0 : i32
    %dma_wait3A_506 = arith.constant 0 : i32
    %dma_wait3A_507 = arith.constant 0 : i32
    %dma_wait3A_508 = tpu.memref_slice %arg6[%dma_wait3A_505, %dma_wait3A_506, %dma_wait3A_507] : memref<2x256x128xf32, #tpu.memory_space<vmem>> -> memref<1x256x64xf32, #tpu.memory_space<vmem>>
    %dma_wait3A_509 = tpu.memref_squeeze %dma_wait3A_508 : memref<1x256x64xf32, #tpu.memory_space<vmem>> -> memref<256x64xf32, #tpu.memory_space<vmem>>
    %dma_wait3A_510 = arith.constant 2048 : i32
    %dma_wait3A_511 = arith.constant 0 : i32
    %dma_wait3A_512 = tpu.memref_slice %arg4[%add3A, %dma_wait3A_510, %dma_wait3A_511] : memref<32x2560x64xf32, #tpu.memory_space<hbm>> -> memref<1x256x64xf32, #tpu.memory_space<hbm>>
    %dma_wait3A_513 = tpu.memref_squeeze %dma_wait3A_512 : memref<1x256x64xf32, #tpu.memory_space<hbm>> -> memref<256x64xf32, #tpu.memory_space<hbm>>
    %dma_wait3A_514 = arith.constant 2048 : i32
    %dma_wait3A_515 = arith.constant 0 : i32
    %dma_wait3A_516 = tpu.memref_slice %arg4[%add3A, %dma_wait3A_514, %dma_wait3A_515] : memref<32x2560x64xf32, #tpu.memory_space<hbm>> -> memref<1x256x64xf32, #tpu.memory_space<hbm>>
    %dma_wait3A_517 = tpu.memref_squeeze %dma_wait3A_516 : memref<1x256x64xf32, #tpu.memory_space<hbm>> -> memref<256x64xf32, #tpu.memory_space<hbm>>
    %dma_wait3A_518 = arith.constant 0 : i32
    %dma_wait3A_519 = arith.constant 0 : i32
    %dma_wait3A_520 = tpu.memref_slice %arg6[%dma_wait3A_505, %dma_wait3A_518, %dma_wait3A_519] : memref<2x256x128xf32, #tpu.memory_space<vmem>> -> memref<1x256x64xf32, #tpu.memory_space<vmem>>
    %dma_wait3A_521 = tpu.memref_squeeze %dma_wait3A_520 : memref<1x256x64xf32, #tpu.memory_space<vmem>> -> memref<256x64xf32, #tpu.memory_space<vmem>>
    tpu.wait_dma2 semaphore(%arg9 : memref<!tpu.dma_semaphore, #tpu.memory_space<semaphore_mem>>) src(%dma_wait3A_521 : memref<256x64xf32, #tpu.memory_space<vmem>>) dst(%dma_wait3A_517 : memref<256x64xf32, #tpu.memory_space<hbm>>)
    %dma_wait3A_522 = arith.constant 1 : i32
    %dma_wait3A_523 = arith.constant 0 : i32
    %dma_wait3A_524 = arith.constant 0 : i32
    %dma_wait3A_525 = tpu.memref_slice %arg6[%dma_wait3A_522, %dma_wait3A_523, %dma_wait3A_524] : memref<2x256x128xf32, #tpu.memory_space<vmem>> -> memref<1x256x64xf32, #tpu.memory_space<vmem>>
    %dma_wait3A_526 = tpu.memref_squeeze %dma_wait3A_525 : memref<1x256x64xf32, #tpu.memory_space<vmem>> -> memref<256x64xf32, #tpu.memory_space<vmem>>
    %dma_wait3A_527 = arith.constant 2304 : i32
    %dma_wait3A_528 = arith.constant 0 : i32
    %dma_wait3A_529 = tpu.memref_slice %arg4[%add3A, %dma_wait3A_527, %dma_wait3A_528] : memref<32x2560x64xf32, #tpu.memory_space<hbm>> -> memref<1x256x64xf32, #tpu.memory_space<hbm>>
    %dma_wait3A_530 = tpu.memref_squeeze %dma_wait3A_529 : memref<1x256x64xf32, #tpu.memory_space<hbm>> -> memref<256x64xf32, #tpu.memory_space<hbm>>
    %dma_wait3A_531 = arith.constant 2304 : i32
    %dma_wait3A_532 = arith.constant 0 : i32
    %dma_wait3A_533 = tpu.memref_slice %arg4[%add3A, %dma_wait3A_531, %dma_wait3A_532] : memref<32x2560x64xf32, #tpu.memory_space<hbm>> -> memref<1x256x64xf32, #tpu.memory_space<hbm>>
    %dma_wait3A_534 = tpu.memref_squeeze %dma_wait3A_533 : memref<1x256x64xf32, #tpu.memory_space<hbm>> -> memref<256x64xf32, #tpu.memory_space<hbm>>
    %dma_wait3A_535 = arith.constant 0 : i32
    %dma_wait3A_536 = arith.constant 0 : i32
    %dma_wait3A_537 = tpu.memref_slice %arg6[%dma_wait3A_522, %dma_wait3A_535, %dma_wait3A_536] : memref<2x256x128xf32, #tpu.memory_space<vmem>> -> memref<1x256x64xf32, #tpu.memory_space<vmem>>
    %dma_wait3A_538 = tpu.memref_squeeze %dma_wait3A_537 : memref<1x256x64xf32, #tpu.memory_space<vmem>> -> memref<256x64xf32, #tpu.memory_space<vmem>>
    tpu.wait_dma2 semaphore(%arg10 : memref<!tpu.dma_semaphore, #tpu.memory_space<semaphore_mem>>) src(%dma_wait3A_538 : memref<256x64xf32, #tpu.memory_space<vmem>>) dst(%dma_wait3A_534 : memref<256x64xf32, #tpu.memory_space<hbm>>)
    return
  }
}

</mosaic_0001>

<sc_bundles>
// kernel: kernel.3.cloned.1.call-start
scs
__scs_entry_jumppad:
0x0: {  	(pc) =	sbr.rel $0x88, $3  }
0x1: {  	(tag) =	ssettag $0x0;
	lr =	simm.s32 $0x1  }
0x2: {  	[smem:$0x3F9F] =	sst lr;
	_ =	strace $0xD0000000  }
0x3: {  	_ = 	snop  }
0x4: {  	_ = 	snop  }
0x5: {  	_ = 	snop  }
0x6: {  	_ = 	snop  }
0x7: {  	_ = 	snop  }
__scs_overlays_trampoline_lowered:
0x8: {  	[smem:$0x3FAE] =	sst s0  }
0x9: {  	[smem:$0x3FAF] =	sst s1  }
0xa: {  	[smem:$0x3FB0] =	sst s2  }
0xb: {  	[smem:$0x3FB1] =	sst s3  }
0xc: {  	[smem:$0x3FB2] =	sst s4  }
0xd: {  	[smem:$0x3FB3] =	sst s5  }
0xe: {  	[smem:$0x3FB4] =	sst s6  }
0xf: {  	[smem:$0x3FB5] =	sst s7  }
0x10: {  	[smem:$0x3FB6] =	sst s8  }
0x11: {  	[smem:$0x3FB7] =	sst s9;
	s0 =	simm.s32 @!p0 $0x0  }
0x12: {  	s1 =	sld [smem:$0x3F9D];
	s0 =	simm.s32 @p0 $0x1  }
0x13: {  	[smem:$0x3FB8] =	sst s0;
	s0 =	simm.s32 @!p1 $0x0  }
0x14: {  	s2 =	sld [smem:$0x3F9C];
	s0 =	simm.s32 @p1 $0x1  }
0x15: {  	[smem:$0x3FB9] =	sst s0;
	s0 =	simm.s32 @!p2 $0x0  }
0x16: {  	s3 =	sld [smem:$0x3FDB];
	s0 =	simm.s32 @p2 $0x1  }
0x17: {  	s4 =	simm.s32 $0x1BF5;
	[smem:$0x3FBB] =	sst s0  }
0x18: {  	s0 =	sld [smem:$0x3F9E];
	_ =	swait.ge [sflag:s4], $0x0  }
0x19: {  	s7 =	sld [smem:$0x3F9F]  }
0x1a: {  	s8 =	sadd.s32 $0xFFFFE003, lr  }
0x1b: {  	s9 =	sadd.s32 $0xFFFFFEF7, lr;
	s5 =	simm.s32 $0xFFFFFFFF;
	p2 =	slt.u32 s8, $0xFFFFF086  }
0x1c: {  	p1 =	slt.u32 s9, $0xF7A;
	s5 =	simm.s32 @!p2 $0x0  }
0x1d: {  	s5 =	simm.s32 @p1 $0x1;
	p0 =	seq.s32 s7, s2  }
0x1e: {  	s7 =	smul.u32 @!p0 $0xF7A, s2;
	p2 =	seq.s32 @!p0 s5, $0x0  }
0x1f: {  	s9 =	smul.u32 $0xF7A, s1;
	s8 =	simm.s32 @!p0 $0x1BF5;
	p2 =	por !p2, p0  }
0x20: {  	[sflag:s8] =	ssyncset.s32 @!p0 $0xFFFFF086;
	s6 =	sadd.s32 @!p0 s3, s7;
	s7 =	simm.s32 @!p0 $0x108  }
0x21: {  	s3 =	sadd.s32 s3, s9;
	s6 =	sadd.s32 @!p0 $0x88, s6;
	s7 =	simm.s32 @p2 $0x1082  }
0x22: {  	[simem:s7], [sflag:s8] =	dma.local @!p0 [hbm:s6], $0xF7A  }
0x23: {  	s9 =	sor.u32 $0xD0000000, s2;
	s6 =	simm.s32 $0x108;
	_ =	swait.ge @!p0 [sflag:s8], $0x0  }
0x24: {  	s3 =	sadd.s32 $0x88, s3;
	s6 =	simm.s32 @!p1 $0x1082;
	[sflag:s4] =	ssyncset.s32 $0xFFFFF086  }
0x25: {  	[simem:s6], [sflag:s4] =	dma.local [hbm:s3], $0xF7A  }
0x26: {  	[smem:$0x3F9F] =	sst s1;
	(tag) =	ssettag s2;
	_ =	strace s9  }
0x27: {  	s1 =	sld [smem:$0x3FAF]  }
0x28: {  	s2 =	sld [smem:$0x3FB0]  }
0x29: {  	s4 =	sld [smem:$0x3FB2]  }
0x2a: {  	p0 =	seq.s32 s5, $0x0;
	s5 =	sld [smem:$0x3FB3]  }
0x2b: {  	s6 =	sld [smem:$0x3FB4]  }
0x2c: {  	s7 =	sld [smem:$0x3FB5]  }
0x2d: {  	s3 =	simm.s32 $0x108;
	s8 =	sld [smem:$0x3FB6]  }
0x2e: {  	s3 =	simm.s32 @!p0 $0x1082;
	s9 =	sld [smem:$0x3FB7]  }
0x2f: {  	lr =	sadd.s32 s0, s3;
	s0 =	sld [smem:$0x3FAE]  }
0x30: {  	s3 =	sld [smem:$0x3FB1]  }
0x31: {  	[smem:$0x3FBA] =	sst s10  }
0x32: {  	s10 =	sld [smem:$0x3FB8];
	_ =	sdelay $0x3  }
0x33: {  	p0 =	seq.s32 s10, $0x1;
	s10 =	sld [smem:$0x3FBA];
	_ =	sdelay $0x3  }
0x34: {  	[smem:$0x3FBA] =	sst s10  }
0x35: {  	s10 =	sld [smem:$0x3FB9];
	_ =	sdelay $0x3  }
0x36: {  	p1 =	seq.s32 s10, $0x1;
	s10 =	sld [smem:$0x3FBA];
	_ =	sdelay $0x3  }
0x37: {  	[smem:$0x3FBA] =	sst s10  }
0x38: {  	s10 =	sld [smem:$0x3FBB]  }
0x39: {  	_ = 	snop;
	(pc) =	sbr.ind lr, $3  }
0x3a: {  	_ = 	snop  }
0x3b: {  	_ = 	snop  }
0x3c: {  	p2 =	seq.s32 s10, $0x1;
	s10 =	sld [smem:$0x3FBA]  }
0x3d: {  	_ =	shalt  }
0x3e: {  	_ =	shalt  }
0x3f: {  	_ =	shalt  }
0x40: {  	_ =	shalt  }
0x41: {  	_ =	shalt  }
0x42: {  	_ =	shalt  }
0x43: {  	_ =	shalt  }
0x44: {  	_ =	shalt  }
0x45: {  	_ =	shalt  }
0x46: {  	_ =	shalt  }
0x47: {  	_ =	shalt  }
0x48: {  	_ =	shalt  }
0x49: {  	_ =	shalt  }
0x4a: {  	_ =	shalt  }
0x4b: {  	_ =	shalt  }
0x4c: {  	_ =	shalt  }
0x4d: {  	_ =	shalt  }
0x4e: {  	_ =	shalt  }
0x4f: {  	_ =	shalt  }
0x50: {  	_ =	shalt  }
0x51: {  	_ =	shalt  }
0x52: {  	_ =	shalt  }
0x53: {  	_ =	shalt  }
0x54: {  	_ =	shalt  }
0x55: {  	_ =	shalt  }
0x56: {  	_ =	shalt  }
0x57: {  	_ =	shalt  }
0x58: {  	_ =	shalt  }
0x59: {  	_ =	shalt  }
0x5a: {  	_ =	shalt  }
0x5b: {  	_ =	shalt  }
0x5c: {  	_ =	shalt  }
0x5d: {  	_ =	shalt  }
0x5e: {  	_ =	shalt  }
0x5f: {  	_ =	shalt  }
0x60: {  	_ =	shalt  }
0x61: {  	_ =	shalt  }
0x62: {  	_ =	shalt  }
0x63: {  	_ =	shalt  }
0x64: {  	_ =	shalt  }
0x65: {  	_ =	shalt  }
0x66: {  	_ =	shalt  }
0x67: {  	_ =	shalt  }
0x68: {  	_ =	shalt  }
0x69: {  	_ =	shalt  }
0x6a: {  	_ =	shalt  }
0x6b: {  	_ =	shalt  }
0x6c: {  	_ =	shalt  }
0x6d: {  	_ =	shalt  }
0x6e: {  	_ =	shalt  }
0x6f: {  	_ =	shalt  }
0x70: {  	_ =	shalt  }
0x71: {  	_ =	shalt  }
0x72: {  	_ =	shalt  }
0x73: {  	_ =	shalt  }
0x74: {  	_ =	shalt  }
0x75: {  	_ =	shalt  }
0x76: {  	_ =	shalt  }
0x77: {  	_ =	shalt  }
0x78: {  	_ =	shalt  }
0x79: {  	_ =	shalt  }
0x7a: {  	_ =	shalt  }
0x7b: {  	_ =	shalt  }
0x7c: {  	_ =	shalt  }
0x7d: {  	_ =	shalt  }
0x7e: {  	_ =	shalt  }
0x7f: {  	_ =	shalt  }
0x80: {  	_ =	shalt  }
0x81: {  	_ =	shalt  }
0x82: {  	_ =	shalt  }
0x83: {  	_ =	shalt  }
0x84: {  	_ =	shalt  }
0x85: {  	_ =	shalt  }
0x86: {  	_ =	shalt  }
0x87: {  	_ =	shalt  }
.Lfunc_end0:
.L_simem_size_0:
called_computation_lowered:
.L_overlay_start_0:
0x88: {  	s2 =	sld [smem:$0x3FD9]  }
0x89: {  	s3 =	sld [smem:$0x3FFE];
	_ =	sdelay $0x1  }
0x8a: {  	s1 =	srdreg.scid  }
0x8b: {  	s0 =	sand.u32 $0x1, s1  }
0x8c: {  	s17 =	sshll.u32 s0, $0xA;
	s2 =	sadd.s32 s3, s2  }
0x8d: {  	s2 =	sadd.s32 s2, s17  }
0x8e: {  	[smem:$0x3FC6] =	sst s2  }
0x8f: {  	_ = 	snop  }
0x90: {  	s2 =	sld [smem:$0x3FD0];
	(tm) =	ssettm $0x1  }
0x91: {  	s18 =	sld [smem:$0x3FFB];
	_ =	sdelay $0x3  }
0x92: {  	_ =	strace s18  }
0x93: {  	s3 =	sld [smem:$0x3FFC];
	_ =	sdelay $0x3  }
0x94: {  	_ =	strace s3  }
0x95: {  	s3 =	sld [smem:$0x3FFD];
	_ =	sdelay $0x3  }
0x96: {  	_ =	strace s3  }
0x97: {  	_ =	strace $0x8FFFFFFF  }
0x98: {  	s19 =	sld [smem:$0x3FDB];
	_ =	sdelay $0x1  }
0x99: {  	s4 =	simm.s32 $_scs_section_size  }
0x9a: {  	s5 =	simm.s32 $_size__tile_overlayer_lowered;
	s6 =	simm.s32 $_tile_overlayer_lowered  }
0x9b: {  	s22 =	simm.s32 $0x1BFF;
	s21 =	sshll.u32 s6, $0x1;
	s3 =	sadd.s32 s4, s19  }
0x9c: {  	s7 =	simm.s32 $0x0;
	s20 =	sshll.u32 s5, $0x1;
	s5 =	sadd.s32 s21, s3  }
0x9d: {  	[timem:s7], [sflag:s22] =	dma.local [hbm:s5], s20  }
0x9e: {  	_ =	swait.ge [sflag:s22], s20  }
0x9f: {  	s4 =	ssub.s32 $0x0, s20;
	[sflag:s22] =	ssyncset.done $0x0  }
0xa0: {  	[sflag:s22] =	ssyncadd.s32 s4;
	_ =	sdelay $0x1  }
0xa1: {  	s23 =	simm.s32 $0x1B8B  }
0xa2: {  	_ =	swait.ge [sflag:s23], $0x1  }
0xa3: {  	[sflag:s23] =	ssyncset.done $0x0  }
0xa4: {  	s25 =	simm.s32 $0x1B8E;
	s24 =	sld [smem:$0x3FFE];
	[sflag:s23] =	ssyncadd.s32 $0xFFFFFFFF  }
0xa5: {  	s26 =	simm.s32 $execute0_lowered;
	[smem:$0x3FD2] =	sst s25  }
0xa6: {  	s5 =	sshll.u32 s26, $0x1;
	_ =	strace $0x80000046;
	[dreg:$0x1] =	wrdreg $0xFFFFFFFF  }
0xa7: {  	s28 =	simm.s32 $_size_execute0_lowered;
	s3 =	sadd.s32 s3, s5;
	[dreg:$0x0] =	wrdreg $0x0  }
0xa8: {  	s5 =	sshll.u32 s28, $0x1;
	[dreg:$0x2] =	wrdreg s3  }
0xa9: {  	[dreg:$0x3] =	wrdreg s5  }
0xaa: {  	[dreg:$0x4] =	wrdreg $0xC0  }
0xab: {  	_ =	task [dreg:s7], $0x5FFFF  }
0xac: {  	[dreg:$0x1] =	wrdreg $0xFFFFFFFF  }
0xad: {  	[dreg:$0x0] =	wrdreg $0x60  }
0xae: {  	[dreg:$0x2] =	wrdreg s24  }
0xaf: {  	[dreg:$0x3] =	wrdreg s2  }
0xb0: {  	[dreg:$0x4] =	wrdreg $0x9  }
0xb1: {  	_ =	task.clear_ibuf [dreg:s7], $0x5FFFF;
	_ =	strace $0x90000046  }
0xb2: {  	s29 =	simm.s32 $0x9;
	_ =	strace $0x80000048  }
0xb3: {  	_ =	swait.ge [sflag:s29], $0x1  }
0xb4: {  	[sflag:s29] =	ssyncadd.s32 $0xFFFFFFFF  }
0xb5: {  	_ =	strace $0x90000048  }
0xb6: {  	_ =	sfence  }
0xb7: {  	s30 =	sld [smem:$0x0];
	_ =	sdelay $0x2  }
0xb8: {  	s31 =	sshll.u32 s1, $0xD;
	s1 =	sshrl.u32 s1, $0x2  }
0xb9: {  	s3 =	sand.u32 $0x4000, s31;
	s1 =	sadd.s32 s1, s30  }
0xba: {  	s0 =	sor.u32 s3, s0;
	s1 =	sshll.u32 s1, $0x11  }
0xbb: {  	s0 =	sor.u32 s1, s0  }
0xbc: {  	s0 =	sadd.s32 $0x8F2B, s0  }
0xbd: {  	[sflag:s0] =	ssyncadd.remote.s32 $0x1  }
0xbe: {  	_ =	sfence.sel $0xFFFF  }
0xbf: {  	[dreg:$0x0] =	wrdreg $0xFFFFFFFF;
	(pc) =	sbr.abs _section_cstart, $3  }
0xc0: {  	[dreg:$0x1] =	wrdreg $0xFFFFFFFF  }
0xc1: {  	_ =	task.clear_ibuf [dreg:s7], $0x2FFFF;
	_ =	strace $0x9FFFFFFF  }
0xc2: {  	(tm) =	ssettm $0x7FFFFFFF  }
0xc3: {  	_ =	shalt  }
tec
execute0_lowered:
.L_overlay_start_1:
0x0: {  	(tag) =	ssettag $0x1  }
0x1: {  	s0 =	srdreg.scid;
	s1 =	rddreg [dreg:$0x0]  }
0x2: {  	s2 =	stileid.u32;
	s5 =	rddreg [dreg:$0x1]  }
0x3: {  	s16 =	simm.s32 $0x5;
	s17 =	simm.s32 $0x100;
	s18 =	simm.s32 $0x8A00  }
0x4: {  	s19 =	simm.s32 $0x1;
	s20 =	simm.s32 $0x3;
	s22 =	simm.s32 $0xA00  }
0x5: {  	s23 =	simm.s32 $0x2;
	s24 =	simm.s32 $0x4;
	s29 =	simm.s32 $0x600  }
0x6: {  	s30 =	simm.s32 $0x700;
	s0 =	sand.u32 $0x1, s0;
	s2 =	sshll.u32 s2, $0x1  }
0x7: {  	s31 =	simm.s32 $0x800;
	s3 =	sor.u32 s0, s2;
	s2 =	simm.s32 $0x0  }
0x8: {  	s0 =	ssub.s32 $0x2, s0;
	s4 =	smul.u32 $0x140, s3;
	[smem:$0x7FF] =	sst s2  }
0x9: {  	s6 =	smul.u32 $0x28000, s3;
	s3 =	sadd.s32 $0xF45200, s1;
	s28 =	sshrl.u32 s0, $0x1  }
0xa: {  	_ =	strace $0x80000047;
	s0 =	ssub.s32 s0, s28;
	s4 =	sadd.s32 s4, s1  }
0xb: {  	s6 =	sshrl.u32 s6, $0x3;
	s15 =	smax.u32 s0, $0x1;
	s1 =	simm.s32 $0x900  }
0xc: {  	s0 =	simm.s32 $0x0;
	s4 =	sadd.s32 $0xF42A00, s4;
	s5 =	sadd.s32 s5, s6  }
0xd: {  	s6 =	sadd.s32 $0x800, s5;
	s7 =	sadd.s32 $0x1000, s5;
	s8 =	sadd.s32 $0x1800, s5  }
0xe: {  	s9 =	sadd.s32 $0x2000, s5;
	s10 =	sadd.s32 $0x2800, s5;
	s11 =	sadd.s32 $0x3000, s5  }
0xf: {  	s12 =	sadd.s32 $0x3800, s5;
	s13 =	sadd.s32 $0x4000, s5;
	s14 =	sadd.s32 $0x4800, s5  }
.LBB2_1:
0x10: {  	[tilespmem:s2], [sflag:$0x5] =	stream.linear.gather [hbm4b:s4+s2], $0xA00, $0x38;
	[tilespmem:$0x10A00] =	vst v63  }
0x11: {  	_ =	swait.ge [sflag:s16], $0xA00  }
0x12: {  	[sflag:s16] =	ssyncset.done $0x0  }
0x13: {  	[sflag:s16] =	ssyncadd.s32 $0xFFFFF600  }
0x14: {  	[tilespmem:s22], [sflag:$0x1] =	stream.indirect.gather [hbm4b:s3+s17], $0x80, s2, s17, $0xb8;
	[tilespmem:$0x10A00] =	vst v63  }
0x15: {  	_ = 	snop  }
0x16: {  	[tilespmem:s18], [sflag:$0x2] =	stream.indirect.gather [hbm4b:s3+s17], $0x80, s17, s17, $0xb8;
	[tilespmem:$0x10A00] =	vst v63  }
0x17: {  	_ =	swait.ge [sflag:s19], $0x8000  }
0x18: {  	s21 =	simm.s32 $0x8;
	s28 =	sadd.s32 $0x0, s5;
	[sflag:s19] =	ssyncset.done $0x0  }
0x19: {  	s25 =	simm.s32 $0xA80;
	s26 =	simm.s32 $0xA00;
	[sflag:s19] =	ssyncadd.s32 $0xFFFF8000  }
.LBB2_2:
0x1a: {  	[hbm4b:s28+s2] =	stream.linear.scatter [tilespmem:s26], [sflag:$0x3], $0x40, $0x38;
	[tilespmem:$0x10A00] =	vst v63  }
0x1b: {  	s28 =	smov.u32 s21;
	s26 =	smov.u32 s25;
	p0 =	sne.s32 s21, $0x7F8  }
.Ltmp0:
0x1c: {  	s21 =	sadd.s32 $0x8, s21;
	(pc) =	sbr.rel @p0 .LBB2_2-.Ltmp0, $2  }
0x1d: {  	_ =	sdelay $0x2  }
0x1e: {  	s25 =	sadd.s32 $0x80, s25;
	s28 =	sadd.s32 s28, s5  }
0x1f: {  	[hbm4b:s28+s2] =	stream.linear.scatter [tilespmem:s26], [sflag:$0x3], $0x40, $0x38;
	[tilespmem:$0x10A00] =	vst v63  }
0x20: {  	_ =	swait.ge [sflag:s20], $0x4000  }
0x21: {  	[sflag:s20] =	ssyncset.done $0x0  }
0x22: {  	s21 =	simm.s32 $0x200;
	[sflag:s20] =	ssyncadd.s32 $0xFFFFC000  }
0x23: {  	[tilespmem:s22], [sflag:$0x1] =	stream.indirect.gather [hbm4b:s3+s17], $0x80, s21, s17, $0xb8;
	[tilespmem:$0x10A00] =	vst v63  }
0x24: {  	_ =	swait.ge [sflag:s23], $0x8000  }
0x25: {  	s25 =	simm.s32 $0x8;
	s28 =	sadd.s32 $0x0, s6;
	[sflag:s23] =	ssyncset.done $0x0  }
0x26: {  	s26 =	simm.s32 $0x8A80;
	s21 =	simm.s32 $0x8A00;
	[sflag:s23] =	ssyncadd.s32 $0xFFFF8000  }
.LBB2_4:
0x27: {  	[hbm4b:s28+s2] =	stream.linear.scatter [tilespmem:s21], [sflag:$0x4], $0x40, $0x38;
	[tilespmem:$0x10A00] =	vst v63  }
0x28: {  	s28 =	smov.u32 s25;
	s21 =	smov.u32 s26;
	p0 =	sne.s32 s25, $0x7F8  }
.Ltmp1:
0x29: {  	s25 =	sadd.s32 $0x8, s25;
	(pc) =	sbr.rel @p0 .LBB2_4-.Ltmp1, $2  }
0x2a: {  	_ =	sdelay $0x2  }
0x2b: {  	s26 =	sadd.s32 $0x80, s26;
	s28 =	sadd.s32 s28, s6  }
0x2c: {  	[hbm4b:s28+s2] =	stream.linear.scatter [tilespmem:s21], [sflag:$0x4], $0x40, $0x38;
	[tilespmem:$0x10A00] =	vst v63  }
0x2d: {  	_ =	swait.ge [sflag:s24], $0x4000  }
0x2e: {  	[sflag:s24] =	ssyncset.done $0x0  }
0x2f: {  	s26 =	simm.s32 $0x300;
	[sflag:s24] =	ssyncadd.s32 $0xFFFFC000  }
0x30: {  	[tilespmem:s18], [sflag:$0x2] =	stream.indirect.gather [hbm4b:s3+s17], $0x80, s26, s17, $0xb8;
	[tilespmem:$0x10A00] =	vst v63  }
0x31: {  	_ =	swait.ge [sflag:s19], $0x8000  }
0x32: {  	s21 =	simm.s32 $0xA00;
	s25 =	simm.s32 $0x8;
	[sflag:s19] =	ssyncset.done $0x0  }
0x33: {  	s28 =	sadd.s32 $0x0, s7;
	s26 =	simm.s32 $0xA80;
	[sflag:s19] =	ssyncadd.s32 $0xFFFF8000  }
.LBB2_6:
0x34: {  	[hbm4b:s28+s2] =	stream.linear.scatter [tilespmem:s21], [sflag:$0x3], $0x40, $0x38;
	[tilespmem:$0x10A00] =	vst v63  }
0x35: {  	s28 =	smov.u32 s25;
	s21 =	smov.u32 s26;
	p0 =	sne.s32 s25, $0x7F8  }
.Ltmp2:
0x36: {  	s25 =	sadd.s32 $0x8, s25;
	(pc) =	sbr.rel @p0 .LBB2_6-.Ltmp2, $2  }
0x37: {  	_ =	sdelay $0x2  }
0x38: {  	s26 =	sadd.s32 $0x80, s26;
	s28 =	sadd.s32 s28, s7  }
0x39: {  	[hbm4b:s28+s2] =	stream.linear.scatter [tilespmem:s21], [sflag:$0x3], $0x40, $0x38;
	[tilespmem:$0x10A00] =	vst v63  }
0x3a: {  	_ =	swait.ge [sflag:s20], $0x4000  }
0x3b: {  	[sflag:s20] =	ssyncset.done $0x0  }
0x3c: {  	s26 =	simm.s32 $0x400;
	[sflag:s20] =	ssyncadd.s32 $0xFFFFC000  }
0x3d: {  	[tilespmem:s22], [sflag:$0x1] =	stream.indirect.gather [hbm4b:s3+s17], $0x80, s26, s17, $0xb8;
	[tilespmem:$0x10A00] =	vst v63  }
0x3e: {  	_ =	swait.ge [sflag:s23], $0x8000  }
0x3f: {  	s21 =	simm.s32 $0x8A00;
	s25 =	simm.s32 $0x8;
	[sflag:s23] =	ssyncset.done $0x0  }
0x40: {  	s28 =	sadd.s32 $0x0, s8;
	s26 =	simm.s32 $0x8A80;
	[sflag:s23] =	ssyncadd.s32 $0xFFFF8000  }
.LBB2_8:
0x41: {  	[hbm4b:s28+s2] =	stream.linear.scatter [tilespmem:s21], [sflag:$0x4], $0x40, $0x38;
	[tilespmem:$0x10A00] =	vst v63  }
0x42: {  	s28 =	smov.u32 s25;
	s21 =	smov.u32 s26;
	p0 =	sne.s32 s25, $0x7F8  }
.Ltmp3:
0x43: {  	s25 =	sadd.s32 $0x8, s25;
	(pc) =	sbr.rel @p0 .LBB2_8-.Ltmp3, $2  }
0x44: {  	_ =	sdelay $0x2  }
0x45: {  	s26 =	sadd.s32 $0x80, s26;
	s28 =	sadd.s32 s28, s8  }
0x46: {  	[hbm4b:s28+s2] =	stream.linear.scatter [tilespmem:s21], [sflag:$0x4], $0x40, $0x38;
	[tilespmem:$0x10A00] =	vst v63  }
0x47: {  	_ =	swait.ge [sflag:s24], $0x4000  }
0x48: {  	[sflag:s24] =	ssyncset.done $0x0  }
0x49: {  	s26 =	simm.s32 $0x500;
	[sflag:s24] =	ssyncadd.s32 $0xFFFFC000  }
0x4a: {  	[tilespmem:s18], [sflag:$0x2] =	stream.indirect.gather [hbm4b:s3+s17], $0x80, s26, s17, $0xb8;
	[tilespmem:$0x10A00] =	vst v63  }
0x4b: {  	_ =	swait.ge [sflag:s19], $0x8000  }
0x4c: {  	s21 =	simm.s32 $0xA00;
	s25 =	simm.s32 $0x8;
	[sflag:s19] =	ssyncset.done $0x0  }
0x4d: {  	s28 =	sadd.s32 $0x0, s9;
	s26 =	simm.s32 $0xA80;
	[sflag:s19] =	ssyncadd.s32 $0xFFFF8000  }
.LBB2_10:
0x4e: {  	[hbm4b:s28+s2] =	stream.linear.scatter [tilespmem:s21], [sflag:$0x3], $0x40, $0x38;
	[tilespmem:$0x10A00] =	vst v63  }
0x4f: {  	s28 =	smov.u32 s25;
	s21 =	smov.u32 s26;
	p0 =	sne.s32 s25, $0x7F8  }
.Ltmp4:
0x50: {  	s25 =	sadd.s32 $0x8, s25;
	(pc) =	sbr.rel @p0 .LBB2_10-.Ltmp4, $2  }
0x51: {  	_ =	sdelay $0x2  }
0x52: {  	s26 =	sadd.s32 $0x80, s26;
	s28 =	sadd.s32 s28, s9  }
0x53: {  	[hbm4b:s28+s2] =	stream.linear.scatter [tilespmem:s21], [sflag:$0x3], $0x40, $0x38;
	[tilespmem:$0x10A00] =	vst v63  }
0x54: {  	_ =	swait.ge [sflag:s20], $0x4000  }
0x55: {  	[sflag:s20] =	ssyncset.done $0x0  }
0x56: {  	[sflag:s20] =	ssyncadd.s32 $0xFFFFC000  }
0x57: {  	[tilespmem:s22], [sflag:$0x1] =	stream.indirect.gather [hbm4b:s3+s17], $0x80, s29, s17, $0xb8;
	[tilespmem:$0x10A00] =	vst v63  }
0x58: {  	_ =	swait.ge [sflag:s23], $0x8000  }
0x59: {  	s21 =	simm.s32 $0x8A00;
	s25 =	simm.s32 $0x8;
	[sflag:s23] =	ssyncset.done $0x0  }
0x5a: {  	s28 =	sadd.s32 $0x0, s10;
	s26 =	simm.s32 $0x8A80;
	[sflag:s23] =	ssyncadd.s32 $0xFFFF8000  }
.LBB2_12:
0x5b: {  	[hbm4b:s28+s2] =	stream.linear.scatter [tilespmem:s21], [sflag:$0x4], $0x40, $0x38;
	[tilespmem:$0x10A00] =	vst v63  }
0x5c: {  	s28 =	smov.u32 s25;
	s21 =	smov.u32 s26;
	p0 =	sne.s32 s25, $0x7F8  }
.Ltmp5:
0x5d: {  	s25 =	sadd.s32 $0x8, s25;
	(pc) =	sbr.rel @p0 .LBB2_12-.Ltmp5, $2  }
0x5e: {  	_ =	sdelay $0x2  }
0x5f: {  	s26 =	sadd.s32 $0x80, s26;
	s28 =	sadd.s32 s28, s10  }
0x60: {  	[hbm4b:s28+s2] =	stream.linear.scatter [tilespmem:s21], [sflag:$0x4], $0x40, $0x38;
	[tilespmem:$0x10A00] =	vst v63  }
0x61: {  	_ =	swait.ge [sflag:s24], $0x4000  }
0x62: {  	[sflag:s24] =	ssyncset.done $0x0  }
0x63: {  	[sflag:s24] =	ssyncadd.s32 $0xFFFFC000  }
0x64: {  	[tilespmem:s18], [sflag:$0x2] =	stream.indirect.gather [hbm4b:s3+s17], $0x80, s30, s17, $0xb8;
	[tilespmem:$0x10A00] =	vst v63  }
0x65: {  	_ =	swait.ge [sflag:s19], $0x8000  }
0x66: {  	s21 =	simm.s32 $0xA00;
	s25 =	simm.s32 $0x8;
	[sflag:s19] =	ssyncset.done $0x0  }
0x67: {  	s28 =	sadd.s32 $0x0, s11;
	s26 =	simm.s32 $0xA80;
	[sflag:s19] =	ssyncadd.s32 $0xFFFF8000  }
.LBB2_14:
0x68: {  	[hbm4b:s28+s2] =	stream.linear.scatter [tilespmem:s21], [sflag:$0x3], $0x40, $0x38;
	[tilespmem:$0x10A00] =	vst v63  }
0x69: {  	s28 =	smov.u32 s25;
	s21 =	smov.u32 s26;
	p0 =	sne.s32 s25, $0x7F8  }
.Ltmp6:
0x6a: {  	s25 =	sadd.s32 $0x8, s25;
	(pc) =	sbr.rel @p0 .LBB2_14-.Ltmp6, $2  }
0x6b: {  	_ =	sdelay $0x2  }
0x6c: {  	s26 =	sadd.s32 $0x80, s26;
	s28 =	sadd.s32 s28, s11  }
0x6d: {  	[hbm4b:s28+s2] =	stream.linear.scatter [tilespmem:s21], [sflag:$0x3], $0x40, $0x38;
	[tilespmem:$0x10A00] =	vst v63  }
0x6e: {  	_ =	swait.ge [sflag:s20], $0x4000  }
0x6f: {  	[sflag:s20] =	ssyncset.done $0x0  }
0x70: {  	[sflag:s20] =	ssyncadd.s32 $0xFFFFC000  }
0x71: {  	[tilespmem:s22], [sflag:$0x1] =	stream.indirect.gather [hbm4b:s3+s17], $0x80, s31, s17, $0xb8;
	[tilespmem:$0x10A00] =	vst v63  }
0x72: {  	_ =	swait.ge [sflag:s23], $0x8000  }
0x73: {  	s21 =	simm.s32 $0x8A00;
	s25 =	simm.s32 $0x8;
	[sflag:s23] =	ssyncset.done $0x0  }
0x74: {  	s28 =	sadd.s32 $0x0, s12;
	s26 =	simm.s32 $0x8A80;
	[sflag:s23] =	ssyncadd.s32 $0xFFFF8000  }
.LBB2_16:
0x75: {  	[hbm4b:s28+s2] =	stream.linear.scatter [tilespmem:s21], [sflag:$0x4], $0x40, $0x38;
	[tilespmem:$0x10A00] =	vst v63  }
0x76: {  	s28 =	smov.u32 s25;
	s21 =	smov.u32 s26;
	p0 =	sne.s32 s25, $0x7F8  }
.Ltmp7:
0x77: {  	s25 =	sadd.s32 $0x8, s25;
	(pc) =	sbr.rel @p0 .LBB2_16-.Ltmp7, $2  }
0x78: {  	_ =	sdelay $0x2  }
0x79: {  	s26 =	sadd.s32 $0x80, s26;
	s28 =	sadd.s32 s28, s12  }
0x7a: {  	[hbm4b:s28+s2] =	stream.linear.scatter [tilespmem:s21], [sflag:$0x4], $0x40, $0x38;
	[tilespmem:$0x10A00] =	vst v63  }
0x7b: {  	_ =	swait.ge [sflag:s24], $0x4000  }
0x7c: {  	[sflag:s24] =	ssyncset.done $0x0  }
0x7d: {  	[sflag:s24] =	ssyncadd.s32 $0xFFFFC000  }
0x7e: {  	[tilespmem:s18], [sflag:$0x2] =	stream.indirect.gather [hbm4b:s3+s17], $0x80, s1, s17, $0xb8;
	[tilespmem:$0x10A00] =	vst v63  }
0x7f: {  	_ =	swait.ge [sflag:s19], $0x8000  }
0x80: {  	s21 =	simm.s32 $0xA00;
	s25 =	simm.s32 $0x8;
	[sflag:s19] =	ssyncset.done $0x0  }
0x81: {  	s28 =	sadd.s32 $0x0, s13;
	s26 =	simm.s32 $0xA80;
	[sflag:s19] =	ssyncadd.s32 $0xFFFF8000  }
.LBB2_18:
0x82: {  	[hbm4b:s28+s2] =	stream.linear.scatter [tilespmem:s21], [sflag:$0x3], $0x40, $0x38;
	[tilespmem:$0x10A00] =	vst v63  }
0x83: {  	s28 =	smov.u32 s25;
	s21 =	smov.u32 s26;
	p0 =	sne.s32 s25, $0x7F8  }
.Ltmp8:
0x84: {  	s25 =	sadd.s32 $0x8, s25;
	(pc) =	sbr.rel @p0 .LBB2_18-.Ltmp8, $2  }
0x85: {  	_ =	sdelay $0x2  }
0x86: {  	s26 =	sadd.s32 $0x80, s26;
	s28 =	sadd.s32 s28, s13  }
0x87: {  	[hbm4b:s28+s2] =	stream.linear.scatter [tilespmem:s21], [sflag:$0x3], $0x40, $0x38;
	[tilespmem:$0x10A00] =	vst v63  }
0x88: {  	_ =	swait.ge [sflag:s23], $0x8000  }
0x89: {  	s21 =	simm.s32 $0x8A00;
	s25 =	simm.s32 $0x8;
	[sflag:s23] =	ssyncset.done $0x0  }
0x8a: {  	s28 =	sadd.s32 $0x0, s14;
	s26 =	simm.s32 $0x8A80;
	[sflag:s23] =	ssyncadd.s32 $0xFFFF8000  }
.LBB2_20:
0x8b: {  	[hbm4b:s28+s2] =	stream.linear.scatter [tilespmem:s21], [sflag:$0x4], $0x40, $0x38;
	[tilespmem:$0x10A00] =	vst v63  }
0x8c: {  	s28 =	smov.u32 s25;
	s21 =	smov.u32 s26;
	p0 =	sne.s32 s25, $0x7F8  }
.Ltmp9:
0x8d: {  	s25 =	sadd.s32 $0x8, s25;
	(pc) =	sbr.rel @p0 .LBB2_20-.Ltmp9, $2  }
0x8e: {  	_ =	sdelay $0x2  }
0x8f: {  	s26 =	sadd.s32 $0x80, s26;
	s28 =	sadd.s32 s28, s14  }
0x90: {  	[hbm4b:s28+s2] =	stream.linear.scatter [tilespmem:s21], [sflag:$0x4], $0x40, $0x38;
	[tilespmem:$0x10A00] =	vst v63  }
0x91: {  	s0 =	sadd.s32 $0x1, s0  }
0x92: {  	_ =	swait.ge [sflag:s20], $0x4000;
	p0 =	sne.s32 s0, s15  }
.Ltmp10:
0x93: {  	[sflag:s20] =	ssyncset.done $0x0;
	(pc) =	sbr.rel @p0 .LBB2_1-.Ltmp10, $4  }
0x94: {  	[sflag:s20] =	ssyncadd.s32 $0xFFFFC000  }
0x95: {  	_ =	swait.ge [sflag:s24], $0x4000  }
0x96: {  	[sflag:s24] =	ssyncset.done $0x0  }
0x97: {  	[sflag:s24] =	ssyncadd.s32 $0xFFFFC000  }
0x98: {  	_ =	sfence.sel $0x180000  }
0x99: {  	[bflag:$0x0] =	sbarrier.arrive $0xFFFF  }
0x9a: {  	_ =	strace $0x90000047  }
0x9b: {  	s0 =	stileid.u32;
	[bflag:$0x2] =	sbarrier.arrive $0xFFFF  }
0x9c: {  	p0 =	sne.s32 s0, $0x0;
	s0 =	rddreg [dreg:$0x2]  }
0x9d: {  	s0 =	sadd.s32 @!p0 $0x100000, s0  }
0x9e: {  	[sflag:s0] =	ssyncadd.tile.s32 @!p0 $0x1;
	_ =	shalt  }
.Lfunc_end2:
_tile_overlayer_lowered:
.L_overlay_start_2:
0x9f: {  	(tag) =	ssettag $0x2  }
0xa0: {  	s0 =	rddreg [dreg:$0x0];
	s2 =	stileid.u32  }
0xa1: {  	s1 =	rddreg [dreg:$0x1];
	p0 =	sne.s32 s2, $0x0  }
0xa2: {  	s3 =	rddreg [dreg:$0x2];
	[bflag:$0x3] =	sbarrier.arrive $0xFFFF;
	s2 =	simm.s32 @!p0 $0x1C05  }
0xa3: {  	[timem:s3], [sflag:s2] =	dma.local @!p0 [hbm:s0], s1  }
0xa4: {  	s0 =	simm.s32 @!p0 $0x5  }
0xa5: {  	_ =	swait.ge @!p0 [sflag:s0], s1  }
0xa6: {  	s1 =	ssub.s32 @!p0 $0x0, s1;
	[sflag:s0] =	ssyncset.done @!p0 $0x0  }
0xa7: {  	[sflag:s0] =	ssyncadd.s32 @!p0 s1  }
0xa8: {  	[bflag:$0x3] =	sbarrier.arrive $0xFFFF  }
0xa9: {  	_ =	shalt  }

</sc_bundles>
